<compile_context>
chip_gen: v7x
topology: tpu7x:2x2x1
jax: 0.10.2.dev20260603
libtpu: 0.0.44.dev20260713+nightly
codegen_flags: <defaults>
</compile_context>

<pallas_src>
import functools

import jax
import jax.numpy as jnp
from jax import lax
from jax.experimental import pallas as pl
from jax.experimental.pallas import tpu as pltpu
from jax.experimental.pallas import tpu_sc as plsc

N = 2048
D = 1024
F = 2048
E = 64

TM = 256
WMAX = 72
NB = 16
BS = N // NB
PB = 256

NC = 2
NS = 16
NW = NC * NS
BPW = N // NW


def _gate_body(x_ref, wg_ref, dest_ref, meta_ref):
    f32 = jnp.float32
    x = x_ref[...]
    logits = jnp.dot(x, wg_ref[...], preferred_element_type=f32)
    m = jnp.max(logits, axis=1, keepdims=True)
    ex = jnp.exp(logits - m)
    gates = ex / jnp.sum(ex, axis=1, keepdims=True)
    gmax = jnp.max(gates, axis=1, keepdims=True)
    eidx = lax.broadcasted_iota(jnp.int32, (N, E), 1)
    expert = jnp.min(jnp.where(gates == gmax, eidx, E), axis=1,
                     keepdims=True)
    onehot = (eidx == expert).astype(f32)

    row = lax.broadcasted_iota(jnp.int32, (BS, BS), 0)
    col = lax.broadcasted_iota(jnp.int32, (BS, BS), 1)
    tri = (row >= col).astype(f32)
    tot = jnp.zeros((1, E), f32)
    incl_parts = []
    for b in range(NB):
        blk = lax.slice(onehot, (b * BS, 0), ((b + 1) * BS, E))
        inc = jnp.dot(tri, blk, preferred_element_type=f32) + tot
        incl_parts.append(inc)
        tot = lax.slice(inc, (BS - 1, 0), (BS, E))
    incl = jnp.concatenate(incl_parts, axis=0)
    counts = tot

    erow = lax.broadcasted_iota(jnp.int32, (E, E), 0)
    ecol = lax.broadcasted_iota(jnp.int32, (E, E), 1)
    offsets = jnp.dot(counts, (erow < ecol).astype(f32),
                      preferred_element_type=f32)
    destf = jnp.sum(onehot * (incl - 1.0 + offsets), axis=1,
                    keepdims=True)
    dest_ref[...] = destf.astype(jnp.int32).reshape(N)

    starts = offsets
    ends = offsets + counts
    t_e = jnp.where(counts > 0.0,
                    jnp.floor((ends - 1.0) / TM) - jnp.floor(starts / TM)
                    + 1.0, 0.0)
    u = jnp.dot(t_e, (erow <= ecol).astype(f32),
                preferred_element_type=f32)
    n_work = lax.slice(u, (0, E - 1), (1, E))
    u_excl = u - t_e
    warr = lax.broadcasted_iota(jnp.int32, (WMAX, 1), 0).astype(f32)
    wc = jnp.minimum(warr, n_work - 1.0)
    cmp = (u <= wc).astype(f32)
    e_w = jnp.sum(cmp, axis=1, keepdims=True)
    ehot = (lax.broadcasted_iota(jnp.int32, (WMAX, E), 1).astype(f32)
            == e_w).astype(f32)
    start_w = jnp.sum(ehot * starts, axis=1, keepdims=True)
    end_w = jnp.sum(ehot * ends, axis=1, keepdims=True)
    uex_w = jnp.sum(ehot * u_excl, axis=1, keepdims=True)
    r_w = jnp.floor(start_w / TM) + (wc - uex_w)
    valid = warr <= (n_work - 1.0)
    start_m = jnp.where(valid, start_w, 0.0)
    end_m = jnp.where(valid, end_w, 0.0)
    nw_col = jnp.zeros((WMAX, 1), f32) + n_work
    zero = jnp.zeros((WMAX, 1), f32)
    meta_f = jnp.concatenate(
        [e_w, r_w, start_m, end_m, nw_col, zero, zero, zero], axis=1)
    meta_ref[...] = meta_f.astype(jnp.int32)


def _gate(x, Wg):
    return pl.pallas_call(
        _gate_body,
        out_shape=(
            jax.ShapeDtypeStruct((N,), jnp.int32),
            jax.ShapeDtypeStruct((WMAX, 8), jnp.int32),
        ),
        compiler_params=pltpu.CompilerParams(
            vmem_limit_bytes=100 * 1024 * 1024),
    )(x, Wg)


def _ffn_body(meta_ref, xs_ref, w1_ref, b1_ref, w2_ref, b2_ref, out_ref,
              h_ref):
    w = pl.program_id(0)
    j = pl.program_id(1)
    n_work = meta_ref[0, 4]

    @pl.when(w < n_work)
    def _():
        @pl.when(j == 0)
        def _():
            xb = xs_ref[...]
            h = jnp.dot(xb, w1_ref[0], preferred_element_type=jnp.float32)
            h_ref[...] = jnp.maximum(h + b1_ref[0], 0.0)

        @pl.when(j == 1)
        def _():
            r = meta_ref[w, 1]
            start = meta_ref[w, 2]
            end = meta_ref[w, 3]
            rprev = meta_ref[jnp.maximum(w - 1, 0), 1]
            first = jnp.logical_or(w == 0, r != rprev)
            rows = r * TM + lax.broadcasted_iota(jnp.int32, (TM, 1), 0)
            active = jnp.logical_and(rows >= start, rows < end)
            y = jnp.dot(h_ref[...], w2_ref[0],
                        preferred_element_type=jnp.float32)
            y = y + b2_ref[0]
            prev = jnp.where(first, jnp.zeros_like(y), out_ref[...])
            out_ref[...] = jnp.where(active, y, prev)


def _ffn(meta, xs, W1, b1, W2, b2):
    grid_spec = pltpu.PrefetchScalarGridSpec(
        num_scalar_prefetch=1,
        grid=(WMAX, 2),
        in_specs=[
            pl.BlockSpec((TM, D), lambda w, j, meta: (meta[w, 1], 0)),
            pl.BlockSpec((1, D, F), lambda w, j, meta: (meta[w, 0], 0, 0)),
            pl.BlockSpec((1, 1, F), lambda w, j, meta: (meta[w, 0], 0, 0)),
            pl.BlockSpec(
                (1, F, D),
                lambda w, j, meta: (meta[jnp.maximum(w - 1 + j, 0), 0], 0, 0)),
            pl.BlockSpec((1, 1, D), lambda w, j, meta: (meta[w, 0], 0, 0)),
        ],
        out_specs=pl.BlockSpec((TM, D), lambda w, j, meta: (meta[w, 1], 0)),
        scratch_shapes=[pltpu.VMEM((TM, F), jnp.float32)],
    )
    return pl.pallas_call(
        _ffn_body,
        grid_spec=grid_spec,
        out_shape=jax.ShapeDtypeStruct((N, D), jnp.float32),
        compiler_params=pltpu.CompilerParams(
            dimension_semantics=("arbitrary", "arbitrary"),
            vmem_limit_bytes=110 * 1024 * 1024),
    )(meta, xs, W1, b1.reshape(E, 1, F), W2, b2.reshape(E, 1, D))


def _sc_gather_body(table_hbm, idx_hbm, out_hbm, idx_v, rows_v, sem):
    wid = lax.axis_index("s") * NC + lax.axis_index("c")
    base = wid * BPW
    pltpu.sync_copy(idx_hbm.at[pl.ds(base, BPW)], idx_v)
    pltpu.async_copy(table_hbm.at[idx_v], rows_v, sem).wait()
    pltpu.sync_copy(rows_v, out_hbm.at[pl.ds(base, BPW)])


def _sc_gather(table, idx):
    mesh = plsc.VectorSubcoreMesh(core_axis_name="c", subcore_axis_name="s")
    return pl.kernel(
        _sc_gather_body,
        out_type=jax.ShapeDtypeStruct((N, D), jnp.float32),
        mesh=mesh,
        scratch_types=[
            pltpu.VMEM((BPW,), jnp.int32),
            pltpu.VMEM((BPW, D), jnp.float32),
            pltpu.SemaphoreType.DMA,
        ],
    )(table, idx)


def _sc_scatter_body(table_hbm, idx_hbm, out_hbm, idx_v, rows_v, sem):
    wid = lax.axis_index("s") * NC + lax.axis_index("c")
    base = wid * BPW
    pltpu.sync_copy(idx_hbm.at[pl.ds(base, BPW)], idx_v)
    pltpu.sync_copy(table_hbm.at[pl.ds(base, BPW)], rows_v)
    pltpu.async_copy(rows_v, out_hbm.at[idx_v], sem).wait()


def _sc_scatter(table, idx):
    mesh = plsc.VectorSubcoreMesh(core_axis_name="c", subcore_axis_name="s")
    return pl.kernel(
        _sc_scatter_body,
        out_type=jax.ShapeDtypeStruct((N, D), jnp.float32),
        mesh=mesh,
        scratch_types=[
            pltpu.VMEM((BPW,), jnp.int32),
            pltpu.VMEM((BPW, D), jnp.float32),
            pltpu.SemaphoreType.DMA,
        ],
    )(table, idx)


def kernel(input, Wg, W1, b1, W2, b2):
    s, t, d = input.shape
    x = input.reshape(s * t, d)
    dest, meta = _gate(x, Wg)
    xs = _sc_scatter(x, dest)
    ys = _ffn(meta, xs, W1, b1, W2, b2)
    out = _sc_gather(ys, dest)
    return out.reshape(s, t, d)

# --- scband reference (transcript-rebuilt; emitter-appended) ---
"""Pipeline reference for scband-mixture-of-experts-es-49443663512011 (READ-ONLY COPY).

The authoritative reference and input builder live on the scoring server;
editing this copy changes nothing except your own understanding.
"""

import jax, jax.numpy as jnp
import numpy as np

E = 64
K = 1
S, T, D = 1, 2048, 1024
F = 2048

def setup_inputs(seed: int = 0) -> dict:
    key = jax.random.key(seed)
    k0, k1, k2, k3 = jax.random.split(key, 4)
    inp = jax.random.normal(k0, (S, T, D), dtype=jnp.float32)
    Wg = jax.random.normal(k1, (D, E), dtype=jnp.float32) * (D ** -0.5)
    W1 = jax.random.normal(k2, (E, D, F), dtype=jnp.float32) * (D ** -0.5)
    b1 = jnp.zeros((E, F), dtype=jnp.float32)
    W2 = jax.random.normal(k3, (E, F, D), dtype=jnp.float32) * (F ** -0.5)
    b2 = jnp.zeros((E, D), dtype=jnp.float32)
    return {"input": inp, "Wg": Wg, "W1": W1, "b1": b1, "W2": W2, "b2": b2}

def reference(input, Wg, W1, b1, W2, b2):
    # input: (s)equence, (t)oken, (m)odel
    s, t, d = input.shape
    x = input.reshape(-1, d)
    N = x.shape[0]
    # --- gate: top-k softmax routing (expert_group_size == 1, no collectives) ---
    logits = x @ Wg
    gates = jax.nn.softmax(logits, axis=-1)
    topv, topi = jax.lax.top_k(gates, K)                 # [N, K]
    combine_weights = topv / jnp.sum(topv, axis=-1, keepdims=True)
    # flat token-slot layout [K, N]: pos = j*N + i so that pos % N recovers token i
    expert_flat = topi.T.reshape(-1)                     # [K*N]
    dispatch_mask = jnp.argsort(expert_flat)             # stable sort by expert id
    sorted_expert_ids = expert_flat[dispatch_mask]       # [K*N], nondecreasing
    # --- dispatch: gather tokens in expert-sorted order ---
    dispatched = x[dispatch_mask % N]
    # --- per-expert FFN, fixed-shape masked selection over sorted slots ---
    num_experts = W1.shape[0]
    expert_outputs = jnp.zeros(dispatched.shape, dtype=dispatched.dtype)
    for e in range(num_experts):
        h = jax.nn.relu(dispatched @ W1[e] + b1[e])
        out_e = h @ W2[e] + b2[e]
        expert_outputs = jnp.where((sorted_expert_ids == e)[:, None], out_e, expert_outputs)
    # --- reroute: scatter expert outputs back to token-slot positions ---
    rerouted = jnp.zeros((N * K, d), dtype=expert_outputs.dtype).at[dispatch_mask].set(expert_outputs)
    rerouted = rerouted.reshape(K, N, d)
    # --- combine with gate weights ---
    combined = jnp.einsum('nk,knd->nd', combine_weights, rerouted)
    return combined.reshape(s, t, d)

if __name__ == "__main__":
    import jax
    _d = setup_inputs()
    print(jax.jit(kernel)(*tuple(_d.values())))

</pallas_src>

<mosaic_0001>
#map = affine_map<(d0, d1) -> (0, 0)>
#map1 = affine_map<(d0, d1) -> (0)>
module attributes {stable_mosaic.version = 14 : i64} {
  func.func @_sc_scatter_body(%arg0: i32, %arg1: i32, %arg2: memref<2048x1024xf32, #tpu.memory_space<hbm>>, %arg3: memref<2048xi32, #tpu.memory_space<hbm>>, %arg4: memref<2048x1024xf32, #tpu.memory_space<hbm>>, %arg5: memref<64xi32, #tpu.memory_space<vmem>>, %arg6: memref<64x1024xf32, #tpu.memory_space<vmem>>, %arg7: memref<!tpu.dma_semaphore, #tpu.memory_space<semaphore_mem>>) attributes {dimension_semantics = [#tpu.dimension_semantics<core_parallel>, #tpu.dimension_semantics<subcore_parallel>], iteration_bounds = array<i64: 2, 16>, scalar_prefetch = 0 : i64, scratch_operands = 3 : i64, tpu.core_type = #tpu.core_type<sc_vector_subcore>, window_params = [{transform_indices = #map}, {transform_indices = #map1}, {transform_indices = #map}]} {
    %mul3A = arith.constant 2 : i32
    %mul3A_0 = arith.muli %arg1, %mul3A : i32
    %add3A = arith.addi %mul3A_0, %arg0 : i32
    %mul3A_1 = arith.constant 64 : i32
    %mul3A_2 = arith.muli %add3A, %mul3A_1 : i32
    "tpu.region"() ({
      %run_scoped3A = tpu.sem_alloc : memref<!tpu.dma_semaphore, #tpu.memory_space<semaphore_mem>>
      %dma_start3A_7 = tpu.memref_slice %arg3[%mul3A_2] : memref<2048xi32, #tpu.memory_space<hbm>> -> memref<64xi32, #tpu.memory_space<hbm>>
      %dma_start3A_8 = tpu.memref_slice %arg3[%mul3A_2] : memref<2048xi32, #tpu.memory_space<hbm>> -> memref<64xi32, #tpu.memory_space<hbm>>
      tpu.enqueue_dma source(%dma_start3A_8 : memref<64xi32, #tpu.memory_space<hbm>>) target(%arg5 : memref<64xi32, #tpu.memory_space<vmem>>) target_semaphore(%run_scoped3A : memref<!tpu.dma_semaphore, #tpu.memory_space<semaphore_mem>>)
      %dma_wait3A_9 = tpu.memref_slice %arg3[%mul3A_2] : memref<2048xi32, #tpu.memory_space<hbm>> -> memref<64xi32, #tpu.memory_space<hbm>>
      %dma_wait3A_10 = tpu.memref_slice %arg3[%mul3A_2] : memref<2048xi32, #tpu.memory_space<hbm>> -> memref<64xi32, #tpu.memory_space<hbm>>
      tpu.wait_dma2 semaphore(%run_scoped3A : memref<!tpu.dma_semaphore, #tpu.memory_space<semaphore_mem>>) src(%dma_wait3A_10 : memref<64xi32, #tpu.memory_space<hbm>>) dst(%arg5 : memref<64xi32, #tpu.memory_space<vmem>>)
      tpu.yield
    }) : () -> ()
    "tpu.region"() ({
      %run_scoped3A = tpu.sem_alloc : memref<!tpu.dma_semaphore, #tpu.memory_space<semaphore_mem>>
      %dma_start3A_7 = arith.constant 0 : i32
      %dma_start3A_8 = tpu.memref_slice %arg2[%mul3A_2, %dma_start3A_7] : memref<2048x1024xf32, #tpu.memory_space<hbm>> -> memref<64x1024xf32, #tpu.memory_space<hbm>>
      %dma_start3A_9 = arith.constant 0 : i32
      %dma_start3A_10 = tpu.memref_slice %arg2[%mul3A_2, %dma_start3A_9] : memref<2048x1024xf32, #tpu.memory_space<hbm>> -> memref<64x1024xf32, #tpu.memory_space<hbm>>
      tpu.enqueue_dma source(%dma_start3A_10 : memref<64x1024xf32, #tpu.memory_space<hbm>>) target(%arg6 : memref<64x1024xf32, #tpu.memory_space<vmem>>) target_semaphore(%run_scoped3A : memref<!tpu.dma_semaphore, #tpu.memory_space<semaphore_mem>>)
      %dma_wait3A_11 = arith.constant 0 : i32
      %dma_wait3A_12 = tpu.memref_slice %arg2[%mul3A_2, %dma_wait3A_11] : memref<2048x1024xf32, #tpu.memory_space<hbm>> -> memref<64x1024xf32, #tpu.memory_space<hbm>>
      %dma_wait3A_13 = arith.constant 0 : i32
      %dma_wait3A_14 = tpu.memref_slice %arg2[%mul3A_2, %dma_wait3A_13] : memref<2048x1024xf32, #tpu.memory_space<hbm>> -> memref<64x1024xf32, #tpu.memory_space<hbm>>
      tpu.wait_dma2 semaphore(%run_scoped3A : memref<!tpu.dma_semaphore, #tpu.memory_space<semaphore_mem>>) src(%dma_wait3A_14 : memref<64x1024xf32, #tpu.memory_space<hbm>>) dst(%arg6 : memref<64x1024xf32, #tpu.memory_space<vmem>>)
      tpu.yield
    }) : () -> ()
    %dma_start3A = arith.constant 0 : i32
    %dma_start3A_3 = arith.constant 0 : i32
    %dma_start3A_4 = tpu.memref_slice %arg4[%dma_start3A, %dma_start3A_3] : memref<2048x1024xf32, #tpu.memory_space<hbm>> -> memref<2048x1024xf32, #tpu.memory_space<hbm>>
    tpu.enqueue_indirect_dma source(%arg6 : memref<64x1024xf32, #tpu.memory_space<vmem>>) target(%dma_start3A_4 : memref<2048x1024xf32, #tpu.memory_space<hbm>>) offsets(%arg5 : memref<64xi32, #tpu.memory_space<vmem>>) semaphore(%arg7 : memref<!tpu.dma_semaphore, #tpu.memory_space<semaphore_mem>>)
    %dma_wait3A = arith.constant 0 : i32
    %dma_wait3A_5 = arith.constant 0 : i32
    %dma_wait3A_6 = tpu.memref_slice %arg4[%dma_wait3A, %dma_wait3A_5] : memref<2048x1024xf32, #tpu.memory_space<hbm>> -> memref<2048x1024xf32, #tpu.memory_space<hbm>>
    tpu.wait_indirect_dma semaphore(%arg7 : memref<!tpu.dma_semaphore, #tpu.memory_space<semaphore_mem>>) src(%arg6 : memref<64x1024xf32, #tpu.memory_space<vmem>>) dst(%dma_wait3A_6 : memref<2048x1024xf32, #tpu.memory_space<hbm>>)
    return
  }
}

#map = affine_map<(d0, d1) -> (0, 0)>
#map1 = affine_map<(d0, d1) -> (0)>
module attributes {stable_mosaic.version = 14 : i64} {
  func.func @_sc_gather_body(%arg0: i32, %arg1: i32, %arg2: memref<2048x1024xf32, #tpu.memory_space<hbm>>, %arg3: memref<2048xi32, #tpu.memory_space<hbm>>, %arg4: memref<2048x1024xf32, #tpu.memory_space<hbm>>, %arg5: memref<64xi32, #tpu.memory_space<vmem>>, %arg6: memref<64x1024xf32, #tpu.memory_space<vmem>>, %arg7: memref<!tpu.dma_semaphore, #tpu.memory_space<semaphore_mem>>) attributes {dimension_semantics = [#tpu.dimension_semantics<core_parallel>, #tpu.dimension_semantics<subcore_parallel>], iteration_bounds = array<i64: 2, 16>, scalar_prefetch = 0 : i64, scratch_operands = 3 : i64, tpu.core_type = #tpu.core_type<sc_vector_subcore>, window_params = [{transform_indices = #map}, {transform_indices = #map1}, {transform_indices = #map}]} {
    %mul3A = arith.constant 2 : i32
    %mul3A_0 = arith.muli %arg1, %mul3A : i32
    %add3A = arith.addi %mul3A_0, %arg0 : i32
    %mul3A_1 = arith.constant 64 : i32
    %mul3A_2 = arith.muli %add3A, %mul3A_1 : i32
    "tpu.region"() ({
      %run_scoped3A = tpu.sem_alloc : memref<!tpu.dma_semaphore, #tpu.memory_space<semaphore_mem>>
      %dma_start3A_7 = tpu.memref_slice %arg3[%mul3A_2] : memref<2048xi32, #tpu.memory_space<hbm>> -> memref<64xi32, #tpu.memory_space<hbm>>
      %dma_start3A_8 = tpu.memref_slice %arg3[%mul3A_2] : memref<2048xi32, #tpu.memory_space<hbm>> -> memref<64xi32, #tpu.memory_space<hbm>>
      tpu.enqueue_dma source(%dma_start3A_8 : memref<64xi32, #tpu.memory_space<hbm>>) target(%arg5 : memref<64xi32, #tpu.memory_space<vmem>>) target_semaphore(%run_scoped3A : memref<!tpu.dma_semaphore, #tpu.memory_space<semaphore_mem>>)
      %dma_wait3A_9 = tpu.memref_slice %arg3[%mul3A_2] : memref<2048xi32, #tpu.memory_space<hbm>> -> memref<64xi32, #tpu.memory_space<hbm>>
      %dma_wait3A_10 = tpu.memref_slice %arg3[%mul3A_2] : memref<2048xi32, #tpu.memory_space<hbm>> -> memref<64xi32, #tpu.memory_space<hbm>>
      tpu.wait_dma2 semaphore(%run_scoped3A : memref<!tpu.dma_semaphore, #tpu.memory_space<semaphore_mem>>) src(%dma_wait3A_10 : memref<64xi32, #tpu.memory_space<hbm>>) dst(%arg5 : memref<64xi32, #tpu.memory_space<vmem>>)
      tpu.yield
    }) : () -> ()
    %dma_start3A = arith.constant 0 : i32
    %dma_start3A_3 = arith.constant 0 : i32
    %dma_start3A_4 = tpu.memref_slice %arg2[%dma_start3A, %dma_start3A_3] : memref<2048x1024xf32, #tpu.memory_space<hbm>> -> memref<2048x1024xf32, #tpu.memory_space<hbm>>
    tpu.enqueue_indirect_dma source(%dma_start3A_4 : memref<2048x1024xf32, #tpu.memory_space<hbm>>) target(%arg6 : memref<64x1024xf32, #tpu.memory_space<vmem>>) offsets(%arg5 : memref<64xi32, #tpu.memory_space<vmem>>) semaphore(%arg7 : memref<!tpu.dma_semaphore, #tpu.memory_space<semaphore_mem>>)
    %dma_wait3A = arith.constant 0 : i32
    %dma_wait3A_5 = arith.constant 0 : i32
    %dma_wait3A_6 = tpu.memref_slice %arg2[%dma_wait3A, %dma_wait3A_5] : memref<2048x1024xf32, #tpu.memory_space<hbm>> -> memref<2048x1024xf32, #tpu.memory_space<hbm>>
    tpu.wait_indirect_dma semaphore(%arg7 : memref<!tpu.dma_semaphore, #tpu.memory_space<semaphore_mem>>) src(%dma_wait3A_6 : memref<2048x1024xf32, #tpu.memory_space<hbm>>) dst(%arg6 : memref<64x1024xf32, #tpu.memory_space<vmem>>)
    "tpu.region"() ({
      %run_scoped3A = tpu.sem_alloc : memref<!tpu.dma_semaphore, #tpu.memory_space<semaphore_mem>>
      %dma_start3A_7 = arith.constant 0 : i32
      %dma_start3A_8 = tpu.memref_slice %arg4[%mul3A_2, %dma_start3A_7] : memref<2048x1024xf32, #tpu.memory_space<hbm>> -> memref<64x1024xf32, #tpu.memory_space<hbm>>
      %dma_start3A_9 = arith.constant 0 : i32
      %dma_start3A_10 = tpu.memref_slice %arg4[%mul3A_2, %dma_start3A_9] : memref<2048x1024xf32, #tpu.memory_space<hbm>> -> memref<64x1024xf32, #tpu.memory_space<hbm>>
      tpu.enqueue_dma source(%arg6 : memref<64x1024xf32, #tpu.memory_space<vmem>>) target(%dma_start3A_10 : memref<64x1024xf32, #tpu.memory_space<hbm>>) target_semaphore(%run_scoped3A : memref<!tpu.dma_semaphore, #tpu.memory_space<semaphore_mem>>)
      %dma_wait3A_11 = arith.constant 0 : i32
      %dma_wait3A_12 = tpu.memref_slice %arg4[%mul3A_2, %dma_wait3A_11] : memref<2048x1024xf32, #tpu.memory_space<hbm>> -> memref<64x1024xf32, #tpu.memory_space<hbm>>
      %dma_wait3A_13 = arith.constant 0 : i32
      %dma_wait3A_14 = tpu.memref_slice %arg4[%mul3A_2, %dma_wait3A_13] : memref<2048x1024xf32, #tpu.memory_space<hbm>> -> memref<64x1024xf32, #tpu.memory_space<hbm>>
      tpu.wait_dma2 semaphore(%run_scoped3A : memref<!tpu.dma_semaphore, #tpu.memory_space<semaphore_mem>>) src(%arg6 : memref<64x1024xf32, #tpu.memory_space<vmem>>) dst(%dma_wait3A_14 : memref<64x1024xf32, #tpu.memory_space<hbm>>)
      tpu.yield
    }) : () -> ()
    return
  }
}

module attributes {stable_mosaic.version = 14 : i64} {
  func.func @_gate_body(%arg0: memref<2048x1024xf32, #tpu.memory_space<vmem>>, %arg1: memref<1024x64xf32, #tpu.memory_space<vmem>>, %arg2: memref<2048xi32, #tpu.memory_space<vmem>>, %arg3: memref<72x8xi32, #tpu.memory_space<vmem>>) attributes {dimension_semantics = [], scalar_prefetch = 0 : i64, scratch_operands = 0 : i64, tpu.core_type = #tpu.core_type<tc>} {
    %get3A = arith.constant 0 : index
    %get3A_0 = arith.constant 0 : index
    %get3A_1 = vector.load %arg0[%get3A, %get3A_0] : memref<2048x1024xf32, #tpu.memory_space<vmem>>, vector<2048x1024xf32>
    %get3A_2 = arith.constant 0 : index
    %get3A_3 = arith.constant 0 : index
    %get3A_4 = vector.load %arg1[%get3A_2, %get3A_3] : memref<1024x64xf32, #tpu.memory_space<vmem>>, vector<1024x64xf32>
    %dot_general3A = arith.constant dense<0.000000e+00> : vector<2048x64xf32>
    %dot_general3A_5 = tpu.matmul %get3A_1, %get3A_4, %dot_general3A {dimension_numbers = #tpu.dot_dimension_numbers<[1], [0], [0], [1], [0, 0, 1, 1], [], []>, transpose_lhs_hint = false} : vector<2048x1024xf32>, vector<1024x64xf32>, vector<2048x64xf32> -> vector<2048x64xf32>
    %reduce_max3A = arith.constant dense<0xFF800000> : vector<2048xf32>
    %reduce_max3A_6 = vector.multi_reduction <maximumf>, %dot_general3A_5, %reduce_max3A [1] : vector<2048x64xf32> to vector<2048xf32>
    %broadcast_in_dim3A = vector.shape_cast %reduce_max3A_6 : vector<2048xf32> to vector<2048x1xf32>
    %sub3A = vector.broadcast %broadcast_in_dim3A : vector<2048x1xf32> to vector<2048x64xf32>
    %sub3A_7 = arith.subf %dot_general3A_5, %sub3A : vector<2048x64xf32>
    %exp3A = math.exp %sub3A_7 : vector<2048x64xf32>
    %reduce_sum3A = arith.constant dense<0.000000e+00> : vector<2048xf32>
    %reduce_sum3A_8 = vector.multi_reduction <add>, %exp3A, %reduce_sum3A [1] : vector<2048x64xf32> to vector<2048xf32>
    %broadcast_in_dim3A_9 = vector.shape_cast %reduce_sum3A_8 : vector<2048xf32> to vector<2048x1xf32>
    %div3A = vector.broadcast %broadcast_in_dim3A_9 : vector<2048x1xf32> to vector<2048x64xf32>
    %div3A_10 = arith.divf %exp3A, %div3A : vector<2048x64xf32>
    %reduce_max3A_11 = arith.constant dense<0xFF800000> : vector<2048xf32>
    %reduce_max3A_12 = vector.multi_reduction <maximumf>, %div3A_10, %reduce_max3A_11 [1] : vector<2048x64xf32> to vector<2048xf32>
    %broadcast_in_dim3A_13 = vector.shape_cast %reduce_max3A_12 : vector<2048xf32> to vector<2048x1xf32>
    %iota3A = tpu.iota {dimensions = array<i32: 1>} : vector<2048x64xi32>
    %eq3A = vector.broadcast %broadcast_in_dim3A_13 : vector<2048x1xf32> to vector<2048x64xf32>
    %eq3A_14 = arith.cmpf oeq, %div3A_10, %eq3A : vector<2048x64xf32>
    %jit3A = arith.constant 64 : i32
    %broadcast_in_dim3A_15 = vector.broadcast %jit3A : i32 to vector<2048x64xi32>
    %select_n3A = arith.select %eq3A_14, %iota3A, %broadcast_in_dim3A_15 : vector<2048x64xi1>, vector<2048x64xi32>
    %reduce_min3A = arith.constant dense<2147483647> : vector<2048xi32>
    %reduce_min3A_16 = vector.multi_reduction <minsi>, %select_n3A, %reduce_min3A [1] : vector<2048x64xi32> to vector<2048xi32>
    %broadcast_in_dim3A_17 = vector.shape_cast %reduce_min3A_16 : vector<2048xi32> to vector<2048x1xi32>
    %eq3A_18 = vector.broadcast %broadcast_in_dim3A_17 : vector<2048x1xi32> to vector<2048x64xi32>
    %eq3A_19 = arith.cmpi eq, %iota3A, %eq3A_18 : vector<2048x64xi32>
    %convert_element_type3A = arith.extui %eq3A_19 : vector<2048x64xi1> to vector<2048x64xi32>
    %convert_element_type3A_20 = arith.sitofp %convert_element_type3A : vector<2048x64xi32> to vector<2048x64xf32>
    %iota3A_21 = tpu.iota {dimensions = array<i32: 0>} : vector<128x128xi32>
    %iota3A_22 = tpu.iota {dimensions = array<i32: 1>} : vector<128x128xi32>
    %ge3A = arith.cmpi sge, %iota3A_21, %iota3A_22 : vector<128x128xi32>
    %convert_element_type3A_23 = arith.extui %ge3A : vector<128x128xi1> to vector<128x128xi32>
    %convert_element_type3A_24 = arith.sitofp %convert_element_type3A_23 : vector<128x128xi32> to vector<128x128xf32>
    %broadcast_in_dim3A_25 = arith.constant 0.000000e+00 : f32
    %broadcast_in_dim3A_26 = vector.broadcast %broadcast_in_dim3A_25 : f32 to vector<1x64xf32>
    %slice3A = vector.extract_strided_slice %convert_element_type3A_20 {offsets = [0, 0], sizes = [128, 64], strides = [1, 1]} : vector<2048x64xf32> to vector<128x64xf32>
    %dot_general3A_27 = arith.constant dense<0.000000e+00> : vector<128x64xf32>
    %dot_general3A_28 = tpu.matmul %convert_element_type3A_24, %slice3A, %dot_general3A_27 {dimension_numbers = #tpu.dot_dimension_numbers<[1], [0], [0], [1], [0, 0, 1, 1], [], []>, transpose_lhs_hint = false} : vector<128x128xf32>, vector<128x64xf32>, vector<128x64xf32> -> vector<128x64xf32>
    %add3A = vector.broadcast %broadcast_in_dim3A_26 : vector<1x64xf32> to vector<128x64xf32>
    %add3A_29 = arith.addf %dot_general3A_28, %add3A : vector<128x64xf32>
    %slice3A_30 = vector.extract_strided_slice %add3A_29 {offsets = [127, 0], sizes = [1, 64], strides = [1, 1]} : vector<128x64xf32> to vector<1x64xf32>
    %slice3A_31 = vector.extract_strided_slice %convert_element_type3A_20 {offsets = [128, 0], sizes = [128, 64], strides = [1, 1]} : vector<2048x64xf32> to vector<128x64xf32>
    %dot_general3A_32 = arith.constant dense<0.000000e+00> : vector<128x64xf32>
    %dot_general3A_33 = tpu.matmul %convert_element_type3A_24, %slice3A_31, %dot_general3A_32 {dimension_numbers = #tpu.dot_dimension_numbers<[1], [0], [0], [1], [0, 0, 1, 1], [], []>, transpose_lhs_hint = false} : vector<128x128xf32>, vector<128x64xf32>, vector<128x64xf32> -> vector<128x64xf32>
    %add3A_34 = vector.broadcast %slice3A_30 : vector<1x64xf32> to vector<128x64xf32>
    %add3A_35 = arith.addf %dot_general3A_33, %add3A_34 : vector<128x64xf32>
    %slice3A_36 = vector.extract_strided_slice %add3A_35 {offsets = [127, 0], sizes = [1, 64], strides = [1, 1]} : vector<128x64xf32> to vector<1x64xf32>
    %slice3A_37 = vector.extract_strided_slice %convert_element_type3A_20 {offsets = [256, 0], sizes = [128, 64], strides = [1, 1]} : vector<2048x64xf32> to vector<128x64xf32>
    %dot_general3A_38 = arith.constant dense<0.000000e+00> : vector<128x64xf32>
    %dot_general3A_39 = tpu.matmul %convert_element_type3A_24, %slice3A_37, %dot_general3A_38 {dimension_numbers = #tpu.dot_dimension_numbers<[1], [0], [0], [1], [0, 0, 1, 1], [], []>, transpose_lhs_hint = false} : vector<128x128xf32>, vector<128x64xf32>, vector<128x64xf32> -> vector<128x64xf32>
    %add3A_40 = vector.broadcast %slice3A_36 : vector<1x64xf32> to vector<128x64xf32>
    %add3A_41 = arith.addf %dot_general3A_39, %add3A_40 : vector<128x64xf32>
    %slice3A_42 = vector.extract_strided_slice %add3A_41 {offsets = [127, 0], sizes = [1, 64], strides = [1, 1]} : vector<128x64xf32> to vector<1x64xf32>
    %slice3A_43 = vector.extract_strided_slice %convert_element_type3A_20 {offsets = [384, 0], sizes = [128, 64], strides = [1, 1]} : vector<2048x64xf32> to vector<128x64xf32>
    %dot_general3A_44 = arith.constant dense<0.000000e+00> : vector<128x64xf32>
    %dot_general3A_45 = tpu.matmul %convert_element_type3A_24, %slice3A_43, %dot_general3A_44 {dimension_numbers = #tpu.dot_dimension_numbers<[1], [0], [0], [1], [0, 0, 1, 1], [], []>, transpose_lhs_hint = false} : vector<128x128xf32>, vector<128x64xf32>, vector<128x64xf32> -> vector<128x64xf32>
    %add3A_46 = vector.broadcast %slice3A_42 : vector<1x64xf32> to vector<128x64xf32>
    %add3A_47 = arith.addf %dot_general3A_45, %add3A_46 : vector<128x64xf32>
    %slice3A_48 = vector.extract_strided_slice %add3A_47 {offsets = [127, 0], sizes = [1, 64], strides = [1, 1]} : vector<128x64xf32> to vector<1x64xf32>
    %slice3A_49 = vector.extract_strided_slice %convert_element_type3A_20 {offsets = [512, 0], sizes = [128, 64], strides = [1, 1]} : vector<2048x64xf32> to vector<128x64xf32>
    %dot_general3A_50 = arith.constant dense<0.000000e+00> : vector<128x64xf32>
    %dot_general3A_51 = tpu.matmul %convert_element_type3A_24, %slice3A_49, %dot_general3A_50 {dimension_numbers = #tpu.dot_dimension_numbers<[1], [0], [0], [1], [0, 0, 1, 1], [], []>, transpose_lhs_hint = false} : vector<128x128xf32>, vector<128x64xf32>, vector<128x64xf32> -> vector<128x64xf32>
    %add3A_52 = vector.broadcast %slice3A_48 : vector<1x64xf32> to vector<128x64xf32>
    %add3A_53 = arith.addf %dot_general3A_51, %add3A_52 : vector<128x64xf32>
    %slice3A_54 = vector.extract_strided_slice %add3A_53 {offsets = [127, 0], sizes = [1, 64], strides = [1, 1]} : vector<128x64xf32> to vector<1x64xf32>
    %slice3A_55 = vector.extract_strided_slice %convert_element_type3A_20 {offsets = [640, 0], sizes = [128, 64], strides = [1, 1]} : vector<2048x64xf32> to vector<128x64xf32>
    %dot_general3A_56 = arith.constant dense<0.000000e+00> : vector<128x64xf32>
    %dot_general3A_57 = tpu.matmul %convert_element_type3A_24, %slice3A_55, %dot_general3A_56 {dimension_numbers = #tpu.dot_dimension_numbers<[1], [0], [0], [1], [0, 0, 1, 1], [], []>, transpose_lhs_hint = false} : vector<128x128xf32>, vector<128x64xf32>, vector<128x64xf32> -> vector<128x64xf32>
    %add3A_58 = vector.broadcast %slice3A_54 : vector<1x64xf32> to vector<128x64xf32>
    %add3A_59 = arith.addf %dot_general3A_57, %add3A_58 : vector<128x64xf32>
    %slice3A_60 = vector.extract_strided_slice %add3A_59 {offsets = [127, 0], sizes = [1, 64], strides = [1, 1]} : vector<128x64xf32> to vector<1x64xf32>
    %slice3A_61 = vector.extract_strided_slice %convert_element_type3A_20 {offsets = [768, 0], sizes = [128, 64], strides = [1, 1]} : vector<2048x64xf32> to vector<128x64xf32>
    %dot_general3A_62 = arith.constant dense<0.000000e+00> : vector<128x64xf32>
    %dot_general3A_63 = tpu.matmul %convert_element_type3A_24, %slice3A_61, %dot_general3A_62 {dimension_numbers = #tpu.dot_dimension_numbers<[1], [0], [0], [1], [0, 0, 1, 1], [], []>, transpose_lhs_hint = false} : vector<128x128xf32>, vector<128x64xf32>, vector<128x64xf32> -> vector<128x64xf32>
    %add3A_64 = vector.broadcast %slice3A_60 : vector<1x64xf32> to vector<128x64xf32>
    %add3A_65 = arith.addf %dot_general3A_63, %add3A_64 : vector<128x64xf32>
    %slice3A_66 = vector.extract_strided_slice %add3A_65 {offsets = [127, 0], sizes = [1, 64], strides = [1, 1]} : vector<128x64xf32> to vector<1x64xf32>
    %slice3A_67 = vector.extract_strided_slice %convert_element_type3A_20 {offsets = [896, 0], sizes = [128, 64], strides = [1, 1]} : vector<2048x64xf32> to vector<128x64xf32>
    %dot_general3A_68 = arith.constant dense<0.000000e+00> : vector<128x64xf32>
    %dot_general3A_69 = tpu.matmul %convert_element_type3A_24, %slice3A_67, %dot_general3A_68 {dimension_numbers = #tpu.dot_dimension_numbers<[1], [0], [0], [1], [0, 0, 1, 1], [], []>, transpose_lhs_hint = false} : vector<128x128xf32>, vector<128x64xf32>, vector<128x64xf32> -> vector<128x64xf32>
    %add3A_70 = vector.broadcast %slice3A_66 : vector<1x64xf32> to vector<128x64xf32>
    %add3A_71 = arith.addf %dot_general3A_69, %add3A_70 : vector<128x64xf32>
    %slice3A_72 = vector.extract_strided_slice %add3A_71 {offsets = [127, 0], sizes = [1, 64], strides = [1, 1]} : vector<128x64xf32> to vector<1x64xf32>
    %slice3A_73 = vector.extract_strided_slice %convert_element_type3A_20 {offsets = [1024, 0], sizes = [128, 64], strides = [1, 1]} : vector<2048x64xf32> to vector<128x64xf32>
    %dot_general3A_74 = arith.constant dense<0.000000e+00> : vector<128x64xf32>
    %dot_general3A_75 = tpu.matmul %convert_element_type3A_24, %slice3A_73, %dot_general3A_74 {dimension_numbers = #tpu.dot_dimension_numbers<[1], [0], [0], [1], [0, 0, 1, 1], [], []>, transpose_lhs_hint = false} : vector<128x128xf32>, vector<128x64xf32>, vector<128x64xf32> -> vector<128x64xf32>
    %add3A_76 = vector.broadcast %slice3A_72 : vector<1x64xf32> to vector<128x64xf32>
    %add3A_77 = arith.addf %dot_general3A_75, %add3A_76 : vector<128x64xf32>
    %slice3A_78 = vector.extract_strided_slice %add3A_77 {offsets = [127, 0], sizes = [1, 64], strides = [1, 1]} : vector<128x64xf32> to vector<1x64xf32>
    %slice3A_79 = vector.extract_strided_slice %convert_element_type3A_20 {offsets = [1152, 0], sizes = [128, 64], strides = [1, 1]} : vector<2048x64xf32> to vector<128x64xf32>
    %dot_general3A_80 = arith.constant dense<0.000000e+00> : vector<128x64xf32>
    %dot_general3A_81 = tpu.matmul %convert_element_type3A_24, %slice3A_79, %dot_general3A_80 {dimension_numbers = #tpu.dot_dimension_numbers<[1], [0], [0], [1], [0, 0, 1, 1], [], []>, transpose_lhs_hint = false} : vector<128x128xf32>, vector<128x64xf32>, vector<128x64xf32> -> vector<128x64xf32>
    %add3A_82 = vector.broadcast %slice3A_78 : vector<1x64xf32> to vector<128x64xf32>
    %add3A_83 = arith.addf %dot_general3A_81, %add3A_82 : vector<128x64xf32>
    %slice3A_84 = vector.extract_strided_slice %add3A_83 {offsets = [127, 0], sizes = [1, 64], strides = [1, 1]} : vector<128x64xf32> to vector<1x64xf32>
    %slice3A_85 = vector.extract_strided_slice %convert_element_type3A_20 {offsets = [1280, 0], sizes = [128, 64], strides = [1, 1]} : vector<2048x64xf32> to vector<128x64xf32>
    %dot_general3A_86 = arith.constant dense<0.000000e+00> : vector<128x64xf32>
    %dot_general3A_87 = tpu.matmul %convert_element_type3A_24, %slice3A_85, %dot_general3A_86 {dimension_numbers = #tpu.dot_dimension_numbers<[1], [0], [0], [1], [0, 0, 1, 1], [], []>, transpose_lhs_hint = false} : vector<128x128xf32>, vector<128x64xf32>, vector<128x64xf32> -> vector<128x64xf32>
    %add3A_88 = vector.broadcast %slice3A_84 : vector<1x64xf32> to vector<128x64xf32>
    %add3A_89 = arith.addf %dot_general3A_87, %add3A_88 : vector<128x64xf32>
    %slice3A_90 = vector.extract_strided_slice %add3A_89 {offsets = [127, 0], sizes = [1, 64], strides = [1, 1]} : vector<128x64xf32> to vector<1x64xf32>
    %slice3A_91 = vector.extract_strided_slice %convert_element_type3A_20 {offsets = [1408, 0], sizes = [128, 64], strides = [1, 1]} : vector<2048x64xf32> to vector<128x64xf32>
    %dot_general3A_92 = arith.constant dense<0.000000e+00> : vector<128x64xf32>
    %dot_general3A_93 = tpu.matmul %convert_element_type3A_24, %slice3A_91, %dot_general3A_92 {dimension_numbers = #tpu.dot_dimension_numbers<[1], [0], [0], [1], [0, 0, 1, 1], [], []>, transpose_lhs_hint = false} : vector<128x128xf32>, vector<128x64xf32>, vector<128x64xf32> -> vector<128x64xf32>
    %add3A_94 = vector.broadcast %slice3A_90 : vector<1x64xf32> to vector<128x64xf32>
    %add3A_95 = arith.addf %dot_general3A_93, %add3A_94 : vector<128x64xf32>
    %slice3A_96 = vector.extract_strided_slice %add3A_95 {offsets = [127, 0], sizes = [1, 64], strides = [1, 1]} : vector<128x64xf32> to vector<1x64xf32>
    %slice3A_97 = vector.extract_strided_slice %convert_element_type3A_20 {offsets = [1536, 0], sizes = [128, 64], strides = [1, 1]} : vector<2048x64xf32> to vector<128x64xf32>
    %dot_general3A_98 = arith.constant dense<0.000000e+00> : vector<128x64xf32>
    %dot_general3A_99 = tpu.matmul %convert_element_type3A_24, %slice3A_97, %dot_general3A_98 {dimension_numbers = #tpu.dot_dimension_numbers<[1], [0], [0], [1], [0, 0, 1, 1], [], []>, transpose_lhs_hint = false} : vector<128x128xf32>, vector<128x64xf32>, vector<128x64xf32> -> vector<128x64xf32>
    %add3A_100 = vector.broadcast %slice3A_96 : vector<1x64xf32> to vector<128x64xf32>
    %add3A_101 = arith.addf %dot_general3A_99, %add3A_100 : vector<128x64xf32>
    %slice3A_102 = vector.extract_strided_slice %add3A_101 {offsets = [127, 0], sizes = [1, 64], strides = [1, 1]} : vector<128x64xf32> to vector<1x64xf32>
    %slice3A_103 = vector.extract_strided_slice %convert_element_type3A_20 {offsets = [1664, 0], sizes = [128, 64], strides = [1, 1]} : vector<2048x64xf32> to vector<128x64xf32>
    %dot_general3A_104 = arith.constant dense<0.000000e+00> : vector<128x64xf32>
    %dot_general3A_105 = tpu.matmul %convert_element_type3A_24, %slice3A_103, %dot_general3A_104 {dimension_numbers = #tpu.dot_dimension_numbers<[1], [0], [0], [1], [0, 0, 1, 1], [], []>, transpose_lhs_hint = false} : vector<128x128xf32>, vector<128x64xf32>, vector<128x64xf32> -> vector<128x64xf32>
    %add3A_106 = vector.broadcast %slice3A_102 : vector<1x64xf32> to vector<128x64xf32>
    %add3A_107 = arith.addf %dot_general3A_105, %add3A_106 : vector<128x64xf32>
    %slice3A_108 = vector.extract_strided_slice %add3A_107 {offsets = [127, 0], sizes = [1, 64], strides = [1, 1]} : vector<128x64xf32> to vector<1x64xf32>
    %slice3A_109 = vector.extract_strided_slice %convert_element_type3A_20 {offsets = [1792, 0], sizes = [128, 64], strides = [1, 1]} : vector<2048x64xf32> to vector<128x64xf32>
    %dot_general3A_110 = arith.constant dense<0.000000e+00> : vector<128x64xf32>
    %dot_general3A_111 = tpu.matmul %convert_element_type3A_24, %slice3A_109, %dot_general3A_110 {dimension_numbers = #tpu.dot_dimension_numbers<[1], [0], [0], [1], [0, 0, 1, 1], [], []>, transpose_lhs_hint = false} : vector<128x128xf32>, vector<128x64xf32>, vector<128x64xf32> -> vector<128x64xf32>
    %add3A_112 = vector.broadcast %slice3A_108 : vector<1x64xf32> to vector<128x64xf32>
    %add3A_113 = arith.addf %dot_general3A_111, %add3A_112 : vector<128x64xf32>
    %slice3A_114 = vector.extract_strided_slice %add3A_113 {offsets = [127, 0], sizes = [1, 64], strides = [1, 1]} : vector<128x64xf32> to vector<1x64xf32>
    %slice3A_115 = vector.extract_strided_slice %convert_element_type3A_20 {offsets = [1920, 0], sizes = [128, 64], strides = [1, 1]} : vector<2048x64xf32> to vector<128x64xf32>
    %dot_general3A_116 = arith.constant dense<0.000000e+00> : vector<128x64xf32>
    %dot_general3A_117 = tpu.matmul %convert_element_type3A_24, %slice3A_115, %dot_general3A_116 {dimension_numbers = #tpu.dot_dimension_numbers<[1], [0], [0], [1], [0, 0, 1, 1], [], []>, transpose_lhs_hint = false} : vector<128x128xf32>, vector<128x64xf32>, vector<128x64xf32> -> vector<128x64xf32>
    %add3A_118 = vector.broadcast %slice3A_114 : vector<1x64xf32> to vector<128x64xf32>
    %add3A_119 = arith.addf %dot_general3A_117, %add3A_118 : vector<128x64xf32>
    %slice3A_120 = vector.extract_strided_slice %add3A_119 {offsets = [127, 0], sizes = [1, 64], strides = [1, 1]} : vector<128x64xf32> to vector<1x64xf32>
    %concatenate3A = tpu.concatenate %add3A_29, %add3A_35, %add3A_41, %add3A_47, %add3A_53, %add3A_59, %add3A_65, %add3A_71, %add3A_77, %add3A_83, %add3A_89, %add3A_95, %add3A_101, %add3A_107, %add3A_113, %add3A_119 in 0 : vector<128x64xf32>, vector<128x64xf32>, vector<128x64xf32>, vector<128x64xf32>, vector<128x64xf32>, vector<128x64xf32>, vector<128x64xf32>, vector<128x64xf32>, vector<128x64xf32>, vector<128x64xf32>, vector<128x64xf32>, vector<128x64xf32>, vector<128x64xf32>, vector<128x64xf32>, vector<128x64xf32>, vector<128x64xf32> -> vector<2048x64xf32>
    %iota3A_121 = tpu.iota {dimensions = array<i32: 0>} : vector<64x64xi32>
    %iota3A_122 = tpu.iota {dimensions = array<i32: 1>} : vector<64x64xi32>
    %lt3A = arith.cmpi slt, %iota3A_121, %iota3A_122 : vector<64x64xi32>
    %convert_element_type3A_123 = arith.extui %lt3A : vector<64x64xi1> to vector<64x64xi32>
    %convert_element_type3A_124 = arith.sitofp %convert_element_type3A_123 : vector<64x64xi32> to vector<64x64xf32>
    %dot_general3A_125 = arith.constant dense<0.000000e+00> : vector<1x64xf32>
    %dot_general3A_126 = tpu.matmul %slice3A_120, %convert_element_type3A_124, %dot_general3A_125 {dimension_numbers = #tpu.dot_dimension_numbers<[1], [0], [0], [1], [0, 0, 1, 1], [], []>, transpose_lhs_hint = false} : vector<1x64xf32>, vector<64x64xf32>, vector<1x64xf32> -> vector<1x64xf32>
    %sub3A_127 = arith.constant 1.000000e+00 : f32
    %sub3A_128 = vector.broadcast %sub3A_127 : f32 to vector<2048x64xf32>
    %sub3A_129 = arith.subf %concatenate3A, %sub3A_128 : vector<2048x64xf32>
    %add3A_130 = vector.broadcast %dot_general3A_126 : vector<1x64xf32> to vector<2048x64xf32>
    %add3A_131 = arith.addf %sub3A_129, %add3A_130 : vector<2048x64xf32>
    %mul3A = arith.mulf %convert_element_type3A_20, %add3A_131 : vector<2048x64xf32>
    %reduce_sum3A_132 = arith.constant dense<0.000000e+00> : vector<2048xf32>
    %reduce_sum3A_133 = vector.multi_reduction <add>, %mul3A, %reduce_sum3A_132 [1] : vector<2048x64xf32> to vector<2048xf32>
    %broadcast_in_dim3A_134 = vector.shape_cast %reduce_sum3A_133 : vector<2048xf32> to vector<2048x1xf32>
    %convert_element_type3A_135 = arith.fptosi %broadcast_in_dim3A_134 : vector<2048x1xf32> to vector<2048x1xi32>
    %reshape3A = vector.shape_cast %convert_element_type3A_135 : vector<2048x1xi32> to vector<2048xi32>
    %swap3A = arith.constant 0 : index
    %swap3A_136 = vector.load %arg2[%swap3A] : memref<2048xi32, #tpu.memory_space<vmem>>, vector<2048xi32>
    tpu.vector_store %arg2[%swap3A], %reshape3A {strides = array<i32>} : memref<2048xi32, #tpu.memory_space<vmem>>, vector<2048xi32>,
    %add3A_137 = arith.addf %dot_general3A_126, %slice3A_120 : vector<1x64xf32>
    %gt3A = arith.constant 0.000000e+00 : f32
    %gt3A_138 = vector.broadcast %gt3A : f32 to vector<1x64xf32>
    %gt3A_139 = arith.cmpf ogt, %slice3A_120, %gt3A_138 : vector<1x64xf32>
    %sub3A_140 = arith.constant 1.000000e+00 : f32
    %sub3A_141 = vector.broadcast %sub3A_140 : f32 to vector<1x64xf32>
    %sub3A_142 = arith.subf %add3A_137, %sub3A_141 : vector<1x64xf32>
    %div3A_143 = arith.constant 2.560000e+02 : f32
    %div3A_144 = vector.broadcast %div3A_143 : f32 to vector<1x64xf32>
    %div3A_145 = arith.divf %sub3A_142, %div3A_144 : vector<1x64xf32>
    %floor3A = math.floor %div3A_145 : vector<1x64xf32>
    %div3A_146 = arith.constant 2.560000e+02 : f32
    %div3A_147 = vector.broadcast %div3A_146 : f32 to vector<1x64xf32>
    %div3A_148 = arith.divf %dot_general3A_126, %div3A_147 : vector<1x64xf32>
    %floor3A_149 = math.floor %div3A_148 : vector<1x64xf32>
    %sub3A_150 = arith.subf %floor3A, %floor3A_149 : vector<1x64xf32>
    %add3A_151 = arith.constant 1.000000e+00 : f32
    %add3A_152 = vector.broadcast %add3A_151 : f32 to vector<1x64xf32>
    %add3A_153 = arith.addf %sub3A_150, %add3A_152 : vector<1x64xf32>
    %jit3A_154 = arith.constant 0.000000e+00 : f32
    %broadcast_in_dim3A_155 = vector.broadcast %jit3A_154 : f32 to vector<1x64xf32>
    %select_n3A_156 = arith.select %gt3A_139, %add3A_153, %broadcast_in_dim3A_155 : vector<1x64xi1>, vector<1x64xf32>
    %le3A = arith.cmpi sle, %iota3A_121, %iota3A_122 : vector<64x64xi32>
    %convert_element_type3A_157 = arith.extui %le3A : vector<64x64xi1> to vector<64x64xi32>
    %convert_element_type3A_158 = arith.sitofp %convert_element_type3A_157 : vector<64x64xi32> to vector<64x64xf32>
    %dot_general3A_159 = arith.constant dense<0.000000e+00> : vector<1x64xf32>
    %dot_general3A_160 = tpu.matmul %select_n3A_156, %convert_element_type3A_158, %dot_general3A_159 {dimension_numbers = #tpu.dot_dimension_numbers<[1], [0], [0], [1], [0, 0, 1, 1], [], []>, transpose_lhs_hint = false} : vector<1x64xf32>, vector<64x64xf32>, vector<1x64xf32> -> vector<1x64xf32>
    %slice3A_161 = vector.extract_strided_slice %dot_general3A_160 {offsets = [0, 63], sizes = [1, 1], strides = [1, 1]} : vector<1x64xf32> to vector<1x1xf32>
    %sub3A_162 = arith.subf %dot_general3A_160, %select_n3A_156 : vector<1x64xf32>
    %iota3A_163 = tpu.iota {dimensions = array<i32: 0>} : vector<72x1xi32>
    %convert_element_type3A_164 = arith.sitofp %iota3A_163 : vector<72x1xi32> to vector<72x1xf32>
    %sub3A_165 = arith.constant 1.000000e+00 : f32
    %sub3A_166 = vector.broadcast %sub3A_165 : f32 to vector<1x1xf32>
    %sub3A_167 = arith.subf %slice3A_161, %sub3A_166 : vector<1x1xf32>
    %min3A = vector.broadcast %sub3A_167 : vector<1x1xf32> to vector<72x1xf32>
    %min3A_168 = arith.minimumf %convert_element_type3A_164, %min3A : vector<72x1xf32>
    %le3A_169 = vector.broadcast %dot_general3A_160 : vector<1x64xf32> to vector<72x64xf32>
    %le3A_170 = vector.broadcast %min3A_168 : vector<72x1xf32> to vector<72x64xf32>
    %le3A_171 = arith.cmpf ole, %le3A_169, %le3A_170 : vector<72x64xf32>
    %convert_element_type3A_172 = arith.extui %le3A_171 : vector<72x64xi1> to vector<72x64xi32>
    %convert_element_type3A_173 = arith.sitofp %convert_element_type3A_172 : vector<72x64xi32> to vector<72x64xf32>
    %reduce_sum3A_174 = arith.constant dense<0.000000e+00> : vector<72xf32>
    %reduce_sum3A_175 = vector.multi_reduction <add>, %convert_element_type3A_173, %reduce_sum3A_174 [1] : vector<72x64xf32> to vector<72xf32>
    %broadcast_in_dim3A_176 = vector.shape_cast %reduce_sum3A_175 : vector<72xf32> to vector<72x1xf32>
    %iota3A_177 = tpu.iota {dimensions = array<i32: 1>} : vector<72x64xi32>
    %convert_element_type3A_178 = arith.sitofp %iota3A_177 : vector<72x64xi32> to vector<72x64xf32>
    %eq3A_179 = vector.broadcast %broadcast_in_dim3A_176 : vector<72x1xf32> to vector<72x64xf32>
    %eq3A_180 = arith.cmpf oeq, %convert_element_type3A_178, %eq3A_179 : vector<72x64xf32>
    %convert_element_type3A_181 = arith.extui %eq3A_180 : vector<72x64xi1> to vector<72x64xi32>
    %convert_element_type3A_182 = arith.sitofp %convert_element_type3A_181 : vector<72x64xi32> to vector<72x64xf32>
    %mul3A_183 = vector.broadcast %dot_general3A_126 : vector<1x64xf32> to vector<72x64xf32>
    %mul3A_184 = arith.mulf %convert_element_type3A_182, %mul3A_183 : vector<72x64xf32>
    %reduce_sum3A_185 = arith.constant dense<0.000000e+00> : vector<72xf32>
    %reduce_sum3A_186 = vector.multi_reduction <add>, %mul3A_184, %reduce_sum3A_185 [1] : vector<72x64xf32> to vector<72xf32>
    %broadcast_in_dim3A_187 = vector.shape_cast %reduce_sum3A_186 : vector<72xf32> to vector<72x1xf32>
    %mul3A_188 = vector.broadcast %add3A_137 : vector<1x64xf32> to vector<72x64xf32>
    %mul3A_189 = arith.mulf %convert_element_type3A_182, %mul3A_188 : vector<72x64xf32>
    %reduce_sum3A_190 = arith.constant dense<0.000000e+00> : vector<72xf32>
    %reduce_sum3A_191 = vector.multi_reduction <add>, %mul3A_189, %reduce_sum3A_190 [1] : vector<72x64xf32> to vector<72xf32>
    %broadcast_in_dim3A_192 = vector.shape_cast %reduce_sum3A_191 : vector<72xf32> to vector<72x1xf32>
    %mul3A_193 = vector.broadcast %sub3A_162 : vector<1x64xf32> to vector<72x64xf32>
    %mul3A_194 = arith.mulf %convert_element_type3A_182, %mul3A_193 : vector<72x64xf32>
    %reduce_sum3A_195 = arith.constant dense<0.000000e+00> : vector<72xf32>
    %reduce_sum3A_196 = vector.multi_reduction <add>, %mul3A_194, %reduce_sum3A_195 [1] : vector<72x64xf32> to vector<72xf32>
    %broadcast_in_dim3A_197 = vector.shape_cast %reduce_sum3A_196 : vector<72xf32> to vector<72x1xf32>
    %div3A_198 = arith.constant 2.560000e+02 : f32
    %div3A_199 = vector.broadcast %div3A_198 : f32 to vector<72x1xf32>
    %div3A_200 = arith.divf %broadcast_in_dim3A_187, %div3A_199 : vector<72x1xf32>
    %floor3A_201 = math.floor %div3A_200 : vector<72x1xf32>
    %sub3A_202 = arith.subf %min3A_168, %broadcast_in_dim3A_197 : vector<72x1xf32>
    %add3A_203 = arith.addf %floor3A_201, %sub3A_202 : vector<72x1xf32>
    %sub3A_204 = arith.constant 1.000000e+00 : f32
    %sub3A_205 = vector.broadcast %sub3A_204 : f32 to vector<1x1xf32>
    %sub3A_206 = arith.subf %slice3A_161, %sub3A_205 : vector<1x1xf32>
    %le3A_207 = vector.broadcast %sub3A_206 : vector<1x1xf32> to vector<72x1xf32>
    %le3A_208 = arith.cmpf ole, %convert_element_type3A_164, %le3A_207 : vector<72x1xf32>
    %jit3A_209 = arith.constant 0.000000e+00 : f32
    %broadcast_in_dim3A_210 = vector.broadcast %jit3A_209 : f32 to vector<72x1xf32>
    %select_n3A_211 = arith.select %le3A_208, %broadcast_in_dim3A_187, %broadcast_in_dim3A_210 : vector<72x1xi1>, vector<72x1xf32>
    %jit3A_212 = arith.constant 0.000000e+00 : f32
    %broadcast_in_dim3A_213 = vector.broadcast %jit3A_212 : f32 to vector<72x1xf32>
    %select_n3A_214 = arith.select %le3A_208, %broadcast_in_dim3A_192, %broadcast_in_dim3A_213 : vector<72x1xi1>, vector<72x1xf32>
    %broadcast_in_dim3A_215 = arith.constant 0.000000e+00 : f32
    %broadcast_in_dim3A_216 = vector.broadcast %broadcast_in_dim3A_215 : f32 to vector<72x1xf32>
    %add3A_217 = vector.broadcast %slice3A_161 : vector<1x1xf32> to vector<72x1xf32>
    %add3A_218 = arith.addf %broadcast_in_dim3A_216, %add3A_217 : vector<72x1xf32>
    %broadcast_in_dim3A_219 = arith.constant 0.000000e+00 : f32
    %broadcast_in_dim3A_220 = vector.broadcast %broadcast_in_dim3A_219 : f32 to vector<72x1xf32>
    %concatenate3A_221 = tpu.concatenate %broadcast_in_dim3A_176, %add3A_203, %select_n3A_211, %select_n3A_214, %add3A_218, %broadcast_in_dim3A_220, %broadcast_in_dim3A_220, %broadcast_in_dim3A_220 in 1 : vector<72x1xf32>, vector<72x1xf32>, vector<72x1xf32>, vector<72x1xf32>, vector<72x1xf32>, vector<72x1xf32>, vector<72x1xf32>, vector<72x1xf32> -> vector<72x8xf32>
    %convert_element_type3A_222 = arith.fptosi %concatenate3A_221 : vector<72x8xf32> to vector<72x8xi32>
    %swap3A_223 = arith.constant 0 : index
    %swap3A_224 = arith.constant 0 : index
    %swap3A_225 = vector.load %arg3[%swap3A_223, %swap3A_224] : memref<72x8xi32, #tpu.memory_space<vmem>>, vector<72x8xi32>
    tpu.vector_store %arg3[%swap3A_223, %swap3A_224], %convert_element_type3A_222 {strides = array<i32>} : memref<72x8xi32, #tpu.memory_space<vmem>>, vector<72x8xi32>,
    return
  }
}

module attributes {stable_mosaic.version = 14 : i64} {
  func.func @_ffn_body(%arg0: i32, %arg1: i32, %arg2: memref<72x8xi32, #tpu.memory_space<smem>>, %arg3: memref<256x1024xf32, #tpu.memory_space<vmem>>, %arg4: memref<1x1024x2048xf32, #tpu.memory_space<vmem>>, %arg5: memref<1x1x2048xf32, #tpu.memory_space<vmem>>, %arg6: memref<1x2048x1024xf32, #tpu.memory_space<vmem>>, %arg7: memref<1x1x1024xf32, #tpu.memory_space<vmem>>, %arg8: memref<256x1024xf32, #tpu.memory_space<vmem>>, %arg9: memref<256x2048xf32, #tpu.memory_space<vmem>>) attributes {dimension_semantics = [#tpu.dimension_semantics<arbitrary>, #tpu.dimension_semantics<arbitrary>], iteration_bounds = array<i64: 72, 2>, scalar_prefetch = 1 : i64, scratch_operands = 1 : i64, tpu.core_type = #tpu.core_type<tc>, window_params = [{transform_indices = @transform_0, window_bounds = array<i64: 256, 1024>}, {transform_indices = @transform_1, window_bounds = array<i64: 1, 1024, 2048>}, {transform_indices = @transform_2, window_bounds = array<i64: 1, 1, 2048>}, {transform_indices = @transform_3, window_bounds = array<i64: 1, 2048, 1024>}, {transform_indices = @transform_4, window_bounds = array<i64: 1, 1, 1024>}, {transform_indices = @transform_5, window_bounds = array<i64: 256, 1024>}]} {
    %get3A = arith.constant 0 : index
    %get3A_0 = arith.constant 4 : index
    %get3A_1 = memref.load %arg2[%get3A, %get3A_0] : memref<72x8xi32, #tpu.memory_space<smem>>
    %lt3A = arith.cmpi slt, %arg0, %get3A_1 : i32
    %convert_element_type3A = arith.extui %lt3A : i1 to i32
    %cond3A = arith.constant 0 : i32
    %cond3A_2 = arith.cmpi ne, %convert_element_type3A, %cond3A : i32
    scf.if %cond3A_2 {
      %eq3A = arith.constant 0 : i32
      %eq3A_3 = arith.cmpi eq, %arg1, %eq3A : i32
      %convert_element_type3A_4 = arith.extui %eq3A_3 : i1 to i32
      %cond3A_5 = arith.constant 0 : i32
      %cond3A_6 = arith.cmpi ne, %convert_element_type3A_4, %cond3A_5 : i32
      scf.if %cond3A_6 {
        %get3A_12 = arith.constant 0 : index
        %get3A_13 = arith.constant 0 : index
        %get3A_14 = vector.load %arg3[%get3A_12, %get3A_13] : memref<256x1024xf32, #tpu.memory_space<vmem>>, vector<256x1024xf32>
        %get3A_15 = arith.constant 0 : index
        %get3A_16 = arith.constant 0 : index
        %get3A_17 = arith.constant 0 : index
        %get3A_18 = vector.load %arg4[%get3A_15, %get3A_16, %get3A_17] : memref<1x1024x2048xf32, #tpu.memory_space<vmem>>, vector<1x1024x2048xf32>
        %get3A_19 = vector.shape_cast %get3A_18 : vector<1x1024x2048xf32> to vector<1024x2048xf32>
        %dot_general3A = arith.constant dense<0.000000e+00> : vector<256x2048xf32>
        %dot_general3A_20 = tpu.matmul %get3A_14, %get3A_19, %dot_general3A {dimension_numbers = #tpu.dot_dimension_numbers<[1], [0], [0], [1], [0, 0, 1, 1], [], []>, transpose_lhs_hint = false} : vector<256x1024xf32>, vector<1024x2048xf32>, vector<256x2048xf32> -> vector<256x2048xf32>
        %get3A_21 = arith.constant 0 : index
        %get3A_22 = arith.constant 0 : index
        %get3A_23 = arith.constant 0 : index
        %get3A_24 = vector.load %arg5[%get3A_21, %get3A_22, %get3A_23] : memref<1x1x2048xf32, #tpu.memory_space<vmem>>, vector<1x1x2048xf32>
        %get3A_25 = vector.shape_cast %get3A_24 : vector<1x1x2048xf32> to vector<1x2048xf32>
        %add3A = vector.broadcast %get3A_25 : vector<1x2048xf32> to vector<256x2048xf32>
        %add3A_26 = arith.addf %dot_general3A_20, %add3A : vector<256x2048xf32>
        %max3A = arith.constant 0.000000e+00 : f32
        %max3A_27 = vector.broadcast %max3A : f32 to vector<256x2048xf32>
        %max3A_28 = arith.maximumf %add3A_26, %max3A_27 : vector<256x2048xf32>
        %swap3A = arith.constant 0 : index
        %swap3A_29 = arith.constant 0 : index
        %swap3A_30 = vector.load %arg9[%swap3A, %swap3A_29] : memref<256x2048xf32, #tpu.memory_space<vmem>>, vector<256x2048xf32>
        tpu.vector_store %arg9[%swap3A, %swap3A_29], %max3A_28 {strides = array<i32>} : memref<256x2048xf32, #tpu.memory_space<vmem>>, vector<256x2048xf32>,
      } else {
      }
      %eq3A_7 = arith.constant 1 : i32
      %eq3A_8 = arith.cmpi eq, %arg1, %eq3A_7 : i32
      %convert_element_type3A_9 = arith.extui %eq3A_8 : i1 to i32
      %cond3A_10 = arith.constant 0 : i32
      %cond3A_11 = arith.cmpi ne, %convert_element_type3A_9, %cond3A_10 : i32
      scf.if %cond3A_11 {
        %get3A_12 = arith.index_cast %arg0 : i32 to index
        %get3A_13 = arith.constant 1 : index
        %get3A_14 = memref.load %arg2[%get3A_12, %get3A_13] : memref<72x8xi32, #tpu.memory_space<smem>>
        %get3A_15 = arith.index_cast %arg0 : i32 to index
        %get3A_16 = arith.constant 2 : index
        %get3A_17 = memref.load %arg2[%get3A_15, %get3A_16] : memref<72x8xi32, #tpu.memory_space<smem>>
        %get3A_18 = arith.index_cast %arg0 : i32 to index
        %get3A_19 = arith.constant 3 : index
        %get3A_20 = memref.load %arg2[%get3A_18, %get3A_19] : memref<72x8xi32, #tpu.memory_space<smem>>
        %sub3A = arith.constant 1 : i32
        %sub3A_21 = arith.subi %arg0, %sub3A : i32
        %max3A = arith.constant 0 : i32
        %max3A_22 = arith.maxsi %sub3A_21, %max3A : i32
        %get3A_23 = arith.index_cast %max3A_22 : i32 to index
        %get3A_24 = arith.constant 1 : index
        %get3A_25 = memref.load %arg2[%get3A_23, %get3A_24] : memref<72x8xi32, #tpu.memory_space<smem>>
        %eq3A_26 = arith.constant 0 : i32
        %eq3A_27 = arith.cmpi eq, %arg0, %eq3A_26 : i32
        %ne3A = arith.cmpi ne, %get3A_14, %get3A_25 : i32
        %or3A = arith.ori %eq3A_27, %ne3A : i1
        %mul3A = arith.constant 256 : i32
        %mul3A_28 = arith.muli %get3A_14, %mul3A : i32
        %iota3A = tpu.iota {dimensions = array<i32: 0>} : vector<256x1xi32>
        %add3A = vector.broadcast %mul3A_28 : i32 to vector<256x1xi32>
        %add3A_29 = arith.addi %add3A, %iota3A : vector<256x1xi32>
        %ge3A = vector.broadcast %get3A_17 : i32 to vector<256x1xi32>
        %ge3A_30 = arith.cmpi sge, %add3A_29, %ge3A : vector<256x1xi32>
        %lt3A_31 = vector.broadcast %get3A_20 : i32 to vector<256x1xi32>
        %lt3A_32 = arith.cmpi slt, %add3A_29, %lt3A_31 : vector<256x1xi32>
        %and3A = arith.andi %ge3A_30, %lt3A_32 : vector<256x1xi1>
        %get3A_33 = arith.constant 0 : index
        %get3A_34 = arith.constant 0 : index
        %get3A_35 = vector.load %arg9[%get3A_33, %get3A_34] : memref<256x2048xf32, #tpu.memory_space<vmem>>, vector<256x2048xf32>
        %get3A_36 = arith.constant 0 : index
        %get3A_37 = arith.constant 0 : index
        %get3A_38 = arith.constant 0 : index
        %get3A_39 = vector.load %arg6[%get3A_36, %get3A_37, %get3A_38] : memref<1x2048x1024xf32, #tpu.memory_space<vmem>>, vector<1x2048x1024xf32>
        %get3A_40 = vector.shape_cast %get3A_39 : vector<1x2048x1024xf32> to vector<2048x1024xf32>
        %dot_general3A = arith.constant dense<0.000000e+00> : vector<256x1024xf32>
        %dot_general3A_41 = tpu.matmul %get3A_35, %get3A_40, %dot_general3A {dimension_numbers = #tpu.dot_dimension_numbers<[1], [0], [0], [1], [0, 0, 1, 1], [], []>, transpose_lhs_hint = false} : vector<256x2048xf32>, vector<2048x1024xf32>, vector<256x1024xf32> -> vector<256x1024xf32>
        %get3A_42 = arith.constant 0 : index
        %get3A_43 = arith.constant 0 : index
        %get3A_44 = arith.constant 0 : index
        %get3A_45 = vector.load %arg7[%get3A_42, %get3A_43, %get3A_44] : memref<1x1x1024xf32, #tpu.memory_space<vmem>>, vector<1x1x1024xf32>
        %get3A_46 = vector.shape_cast %get3A_45 : vector<1x1x1024xf32> to vector<1x1024xf32>
        %add3A_47 = vector.broadcast %get3A_46 : vector<1x1024xf32> to vector<256x1024xf32>
        %add3A_48 = arith.addf %dot_general3A_41, %add3A_47 : vector<256x1024xf32>
        %broadcast_in_dim3A = arith.constant 0.000000e+00 : f32
        %broadcast_in_dim3A_49 = vector.broadcast %broadcast_in_dim3A : f32 to vector<256x1024xf32>
        %get3A_50 = arith.constant 0 : index
        %get3A_51 = arith.constant 0 : index
        %get3A_52 = vector.load %arg8[%get3A_50, %get3A_51] : memref<256x1024xf32, #tpu.memory_space<vmem>>, vector<256x1024xf32>
        %select_n3A = arith.select %or3A, %broadcast_in_dim3A_49, %get3A_52 : vector<256x1024xf32>
        %broadcast_in_dim3A_53 = vector.shape_cast %and3A : vector<256x1xi1> to vector<256x1xi1>
        %broadcast_in_dim3A_54 = vector.broadcast %broadcast_in_dim3A_53 : vector<256x1xi1> to vector<256x1024xi1>
        %select_n3A_55 = arith.select %broadcast_in_dim3A_54, %add3A_48, %select_n3A : vector<256x1024xi1>, vector<256x1024xf32>
        %swap3A = arith.constant 0 : index
        %swap3A_56 = arith.constant 0 : index
        %swap3A_57 = vector.load %arg8[%swap3A, %swap3A_56] : memref<256x1024xf32, #tpu.memory_space<vmem>>, vector<256x1024xf32>
        tpu.vector_store %arg8[%swap3A, %swap3A_56], %select_n3A_55 {strides = array<i32>} : memref<256x1024xf32, #tpu.memory_space<vmem>>, vector<256x1024xf32>,
      } else {
      }
    } else {
    }
    return
  }
  func.func @transform_0(%arg0: i32, %arg1: i32, %arg2: memref<72x8xi32, #tpu.memory_space<smem>>) -> (i32, i32) {
    %get3A = arith.index_cast %arg0 : i32 to index
    %get3A_0 = arith.constant 1 : index
    %get3A_1 = memref.load %arg2[%get3A, %get3A_0] : memref<72x8xi32, #tpu.memory_space<smem>>
    %c0_i32 = arith.constant 0 : i32
    %c0_i32_2 = arith.constant 0 : i32
    return %get3A_1, %c0_i32 : i32, i32
  }
  func.func @transform_1(%arg0: i32, %arg1: i32, %arg2: memref<72x8xi32, #tpu.memory_space<smem>>) -> (i32, i32, i32) {
    %get3A = arith.index_cast %arg0 : i32 to index
    %get3A_0 = arith.constant 0 : index
    %get3A_1 = memref.load %arg2[%get3A, %get3A_0] : memref<72x8xi32, #tpu.memory_space<smem>>
    %c0_i32 = arith.constant 0 : i32
    %c0_i32_2 = arith.constant 0 : i32
    %c0_i32_3 = arith.constant 0 : i32
    return %get3A_1, %c0_i32, %c0_i32_2 : i32, i32, i32
  }
  func.func @transform_2(%arg0: i32, %arg1: i32, %arg2: memref<72x8xi32, #tpu.memory_space<smem>>) -> (i32, i32, i32) {
    %get3A = arith.index_cast %arg0 : i32 to index
    %get3A_0 = arith.constant 0 : index
    %get3A_1 = memref.load %arg2[%get3A, %get3A_0] : memref<72x8xi32, #tpu.memory_space<smem>>
    %c0_i32 = arith.constant 0 : i32
    %c0_i32_2 = arith.constant 0 : i32
    %c0_i32_3 = arith.constant 0 : i32
    return %get3A_1, %c0_i32, %c0_i32_2 : i32, i32, i32
  }
  func.func @transform_3(%arg0: i32, %arg1: i32, %arg2: memref<72x8xi32, #tpu.memory_space<smem>>) -> (i32, i32, i32) {
    %sub3A = arith.constant 1 : i32
    %sub3A_0 = arith.subi %arg0, %sub3A : i32
    %add3A = arith.addi %sub3A_0, %arg1 : i32
    %max3A = arith.constant 0 : i32
    %max3A_1 = arith.maxsi %add3A, %max3A : i32
    %get3A = arith.index_cast %max3A_1 : i32 to index
    %get3A_2 = arith.constant 0 : index
    %get3A_3 = memref.load %arg2[%get3A, %get3A_2] : memref<72x8xi32, #tpu.memory_space<smem>>
    %c0_i32 = arith.constant 0 : i32
    %c0_i32_4 = arith.constant 0 : i32
    %c0_i32_5 = arith.constant 0 : i32
    return %get3A_3, %c0_i32, %c0_i32_4 : i32, i32, i32
  }
  func.func @transform_4(%arg0: i32, %arg1: i32, %arg2: memref<72x8xi32, #tpu.memory_space<smem>>) -> (i32, i32, i32) {
    %get3A = arith.index_cast %arg0 : i32 to index
    %get3A_0 = arith.constant 0 : index
    %get3A_1 = memref.load %arg2[%get3A, %get3A_0] : memref<72x8xi32, #tpu.memory_space<smem>>
    %c0_i32 = arith.constant 0 : i32
    %c0_i32_2 = arith.constant 0 : i32
    %c0_i32_3 = arith.constant 0 : i32
    return %get3A_1, %c0_i32, %c0_i32_2 : i32, i32, i32
  }
  func.func @transform_5(%arg0: i32, %arg1: i32, %arg2: memref<72x8xi32, #tpu.memory_space<smem>>) -> (i32, i32) {
    %get3A = arith.index_cast %arg0 : i32 to index
    %get3A_0 = arith.constant 1 : index
    %get3A_1 = memref.load %arg2[%get3A, %get3A_0] : memref<72x8xi32, #tpu.memory_space<smem>>
    %c0_i32 = arith.constant 0 : i32
    %c0_i32_2 = arith.constant 0 : i32
    return %get3A_1, %c0_i32 : i32, i32
  }
}

</mosaic_0001>

<sc_bundles>
// kernel: kernel.6.cloned.1.call-start
scs
__scs_entry_jumppad:
0x0: {  	(pc) =	sbr.rel $0x88, $3  }
0x1: {  	(tag) =	ssettag $0x0;
	lr =	simm.s32 $0x1  }
0x2: {  	[smem:$0x3F9B] =	sst lr;
	_ =	strace $0xD0000000  }
0x3: {  	_ = 	snop  }
0x4: {  	_ = 	snop  }
0x5: {  	_ = 	snop  }
0x6: {  	_ = 	snop  }
0x7: {  	_ = 	snop  }
__scs_overlays_trampoline_lowered:
0x8: {  	[smem:$0x3FAA] =	sst s0  }
0x9: {  	[smem:$0x3FAB] =	sst s1  }
0xa: {  	[smem:$0x3FAC] =	sst s2  }
0xb: {  	[smem:$0x3FAD] =	sst s3  }
0xc: {  	[smem:$0x3FAE] =	sst s4  }
0xd: {  	[smem:$0x3FAF] =	sst s5  }
0xe: {  	[smem:$0x3FB0] =	sst s6  }
0xf: {  	[smem:$0x3FB1] =	sst s7  }
0x10: {  	[smem:$0x3FB2] =	sst s8  }
0x11: {  	[smem:$0x3FB3] =	sst s9;
	s0 =	simm.s32 @!p0 $0x0  }
0x12: {  	s1 =	sld [smem:$0x3F99];
	s0 =	simm.s32 @p0 $0x1  }
0x13: {  	[smem:$0x3FB4] =	sst s0;
	s0 =	simm.s32 @!p1 $0x0  }
0x14: {  	s2 =	sld [smem:$0x3F98];
	s0 =	simm.s32 @p1 $0x1  }
0x15: {  	[smem:$0x3FB5] =	sst s0;
	s0 =	simm.s32 @!p2 $0x0  }
0x16: {  	s3 =	sld [smem:$0x3FDB];
	s0 =	simm.s32 @p2 $0x1  }
0x17: {  	s4 =	simm.s32 $0x1BF5;
	[smem:$0x3FB7] =	sst s0  }
0x18: {  	s0 =	sld [smem:$0x3F9A];
	_ =	swait.ge [sflag:s4], $0x0  }
0x19: {  	s7 =	sld [smem:$0x3F9B]  }
0x1a: {  	s8 =	sadd.s32 $0xFFFFE003, lr  }
0x1b: {  	s9 =	sadd.s32 $0xFFFFFEF7, lr;
	s5 =	simm.s32 $0xFFFFFFFF;
	p2 =	slt.u32 s8, $0xFFFFF086  }
0x1c: {  	p1 =	slt.u32 s9, $0xF7A;
	s5 =	simm.s32 @!p2 $0x0  }
0x1d: {  	s5 =	simm.s32 @p1 $0x1;
	p0 =	seq.s32 s7, s2  }
0x1e: {  	s7 =	smul.u32 @!p0 $0xF7A, s2;
	p2 =	seq.s32 @!p0 s5, $0x0  }
0x1f: {  	s9 =	smul.u32 $0xF7A, s1;
	s8 =	simm.s32 @!p0 $0x1BF5;
	p2 =	por !p2, p0  }
0x20: {  	[sflag:s8] =	ssyncset.s32 @!p0 $0xFFFFF086;
	s6 =	sadd.s32 @!p0 s3, s7;
	s7 =	simm.s32 @!p0 $0x108  }
0x21: {  	s3 =	sadd.s32 s3, s9;
	s6 =	sadd.s32 @!p0 $0x88, s6;
	s7 =	simm.s32 @p2 $0x1082  }
0x22: {  	[simem:s7], [sflag:s8] =	dma.local @!p0 [hbm:s6], $0xF7A  }
0x23: {  	s9 =	sor.u32 $0xD0000000, s2;
	s6 =	simm.s32 $0x108;
	_ =	swait.ge @!p0 [sflag:s8], $0x0  }
0x24: {  	s3 =	sadd.s32 $0x88, s3;
	s6 =	simm.s32 @!p1 $0x1082;
	[sflag:s4] =	ssyncset.s32 $0xFFFFF086  }
0x25: {  	[simem:s6], [sflag:s4] =	dma.local [hbm:s3], $0xF7A  }
0x26: {  	[smem:$0x3F9B] =	sst s1;
	(tag) =	ssettag s2;
	_ =	strace s9  }
0x27: {  	s1 =	sld [smem:$0x3FAB]  }
0x28: {  	s2 =	sld [smem:$0x3FAC]  }
0x29: {  	s4 =	sld [smem:$0x3FAE]  }
0x2a: {  	p0 =	seq.s32 s5, $0x0;
	s5 =	sld [smem:$0x3FAF]  }
0x2b: {  	s6 =	sld [smem:$0x3FB0]  }
0x2c: {  	s7 =	sld [smem:$0x3FB1]  }
0x2d: {  	s3 =	simm.s32 $0x108;
	s8 =	sld [smem:$0x3FB2]  }
0x2e: {  	s3 =	simm.s32 @!p0 $0x1082;
	s9 =	sld [smem:$0x3FB3]  }
0x2f: {  	lr =	sadd.s32 s0, s3;
	s0 =	sld [smem:$0x3FAA]  }
0x30: {  	s3 =	sld [smem:$0x3FAD]  }
0x31: {  	[smem:$0x3FB6] =	sst s10  }
0x32: {  	s10 =	sld [smem:$0x3FB4];
	_ =	sdelay $0x3  }
0x33: {  	p0 =	seq.s32 s10, $0x1;
	s10 =	sld [smem:$0x3FB6];
	_ =	sdelay $0x3  }
0x34: {  	[smem:$0x3FB6] =	sst s10  }
0x35: {  	s10 =	sld [smem:$0x3FB5];
	_ =	sdelay $0x3  }
0x36: {  	p1 =	seq.s32 s10, $0x1;
	s10 =	sld [smem:$0x3FB6];
	_ =	sdelay $0x3  }
0x37: {  	[smem:$0x3FB6] =	sst s10  }
0x38: {  	s10 =	sld [smem:$0x3FB7]  }
0x39: {  	_ = 	snop;
	(pc) =	sbr.ind lr, $3  }
0x3a: {  	_ = 	snop  }
0x3b: {  	_ = 	snop  }
0x3c: {  	p2 =	seq.s32 s10, $0x1;
	s10 =	sld [smem:$0x3FB6]  }
0x3d: {  	_ =	shalt  }
0x3e: {  	_ =	shalt  }
0x3f: {  	_ =	shalt  }
0x40: {  	_ =	shalt  }
0x41: {  	_ =	shalt  }
0x42: {  	_ =	shalt  }
0x43: {  	_ =	shalt  }
0x44: {  	_ =	shalt  }
0x45: {  	_ =	shalt  }
0x46: {  	_ =	shalt  }
0x47: {  	_ =	shalt  }
0x48: {  	_ =	shalt  }
0x49: {  	_ =	shalt  }
0x4a: {  	_ =	shalt  }
0x4b: {  	_ =	shalt  }
0x4c: {  	_ =	shalt  }
0x4d: {  	_ =	shalt  }
0x4e: {  	_ =	shalt  }
0x4f: {  	_ =	shalt  }
0x50: {  	_ =	shalt  }
0x51: {  	_ =	shalt  }
0x52: {  	_ =	shalt  }
0x53: {  	_ =	shalt  }
0x54: {  	_ =	shalt  }
0x55: {  	_ =	shalt  }
0x56: {  	_ =	shalt  }
0x57: {  	_ =	shalt  }
0x58: {  	_ =	shalt  }
0x59: {  	_ =	shalt  }
0x5a: {  	_ =	shalt  }
0x5b: {  	_ =	shalt  }
0x5c: {  	_ =	shalt  }
0x5d: {  	_ =	shalt  }
0x5e: {  	_ =	shalt  }
0x5f: {  	_ =	shalt  }
0x60: {  	_ =	shalt  }
0x61: {  	_ =	shalt  }
0x62: {  	_ =	shalt  }
0x63: {  	_ =	shalt  }
0x64: {  	_ =	shalt  }
0x65: {  	_ =	shalt  }
0x66: {  	_ =	shalt  }
0x67: {  	_ =	shalt  }
0x68: {  	_ =	shalt  }
0x69: {  	_ =	shalt  }
0x6a: {  	_ =	shalt  }
0x6b: {  	_ =	shalt  }
0x6c: {  	_ =	shalt  }
0x6d: {  	_ =	shalt  }
0x6e: {  	_ =	shalt  }
0x6f: {  	_ =	shalt  }
0x70: {  	_ =	shalt  }
0x71: {  	_ =	shalt  }
0x72: {  	_ =	shalt  }
0x73: {  	_ =	shalt  }
0x74: {  	_ =	shalt  }
0x75: {  	_ =	shalt  }
0x76: {  	_ =	shalt  }
0x77: {  	_ =	shalt  }
0x78: {  	_ =	shalt  }
0x79: {  	_ =	shalt  }
0x7a: {  	_ =	shalt  }
0x7b: {  	_ =	shalt  }
0x7c: {  	_ =	shalt  }
0x7d: {  	_ =	shalt  }
0x7e: {  	_ =	shalt  }
0x7f: {  	_ =	shalt  }
0x80: {  	_ =	shalt  }
0x81: {  	_ =	shalt  }
0x82: {  	_ =	shalt  }
0x83: {  	_ =	shalt  }
0x84: {  	_ =	shalt  }
0x85: {  	_ =	shalt  }
0x86: {  	_ =	shalt  }
0x87: {  	_ =	shalt  }
.Lfunc_end0:
.L_simem_size_0:
called_computation_lowered:
.L_overlay_start_0:
0x88: {  	s2 =	sld [smem:$0x3FD9]  }
0x89: {  	s3 =	sld [smem:$0x3FFE];
	_ =	sdelay $0x1  }
0x8a: {  	s1 =	srdreg.scid  }
0x8b: {  	s0 =	sand.u32 $0x1, s1  }
0x8c: {  	s17 =	sshll.u32 s0, $0xA;
	s2 =	sadd.s32 s3, s2  }
0x8d: {  	s2 =	sadd.s32 s2, s17  }
0x8e: {  	[smem:$0x3FC2] =	sst s2  }
0x8f: {  	_ = 	snop  }
0x90: {  	s2 =	sld [smem:$0x3FC9]  }
0x91: {  	s18 =	sld [smem:$0x3FD0];
	(tm) =	ssettm $0x1  }
0x92: {  	s4 =	sld [smem:$0x3FFB];
	_ =	sdelay $0x3  }
0x93: {  	_ =	strace s4  }
0x94: {  	s4 =	sld [smem:$0x3FFC];
	_ =	sdelay $0x3  }
0x95: {  	_ =	strace s4  }
0x96: {  	s4 =	sld [smem:$0x3FFD];
	_ =	sdelay $0x3  }
0x97: {  	_ =	strace s4  }
0x98: {  	_ =	strace $0x8FFFFFFF  }
0x99: {  	s19 =	sld [smem:$0x3FDB];
	_ =	sdelay $0x1  }
0x9a: {  	s5 =	simm.s32 $_scs_section_size  }
0x9b: {  	s6 =	simm.s32 $_size__tile_overlayer_lowered;
	s7 =	simm.s32 $_tile_overlayer_lowered  }
0x9c: {  	s22 =	simm.s32 $0x1BFF;
	s21 =	sshll.u32 s7, $0x1;
	s4 =	sadd.s32 s5, s19  }
0x9d: {  	s8 =	simm.s32 $0x0;
	s20 =	sshll.u32 s6, $0x1;
	s6 =	sadd.s32 s21, s4  }
0x9e: {  	[timem:s8], [sflag:s22] =	dma.local [hbm:s6], s20  }
0x9f: {  	_ =	swait.ge [sflag:s22], s20  }
0xa0: {  	s5 =	ssub.s32 $0x0, s20;
	[sflag:s22] =	ssyncset.done $0x0  }
0xa1: {  	[sflag:s22] =	ssyncadd.s32 s5;
	_ =	sdelay $0x1  }
0xa2: {  	s23 =	simm.s32 $0x1B8B  }
0xa3: {  	_ =	swait.ge [sflag:s23], $0x1  }
0xa4: {  	[sflag:s23] =	ssyncset.done $0x0  }
0xa5: {  	s25 =	simm.s32 $0x1B8E;
	s24 =	sld [smem:$0x3FFE];
	[sflag:s23] =	ssyncadd.s32 $0xFFFFFFFF  }
0xa6: {  	s26 =	simm.s32 $execute0_lowered;
	[smem:$0x3FD2] =	sst s25  }
0xa7: {  	s6 =	sshll.u32 s26, $0x1;
	_ =	strace $0x80000046;
	[dreg:$0x1] =	wrdreg $0xFFFFFFFF  }
0xa8: {  	s28 =	simm.s32 $_size_execute0_lowered;
	s4 =	sadd.s32 s4, s6;
	[dreg:$0x0] =	wrdreg $0x0  }
0xa9: {  	s6 =	sshll.u32 s28, $0x1;
	[dreg:$0x2] =	wrdreg s4  }
0xaa: {  	[dreg:$0x3] =	wrdreg s6  }
0xab: {  	[dreg:$0x4] =	wrdreg $0xC0  }
0xac: {  	_ =	task [dreg:s8], $0x5FFFF  }
0xad: {  	[dreg:$0x1] =	wrdreg $0xFFFFFFFF  }
0xae: {  	[dreg:$0x0] =	wrdreg $0x60  }
0xaf: {  	[dreg:$0x2] =	wrdreg s2  }
0xb0: {  	[dreg:$0x3] =	wrdreg s24  }
0xb1: {  	[dreg:$0x4] =	wrdreg s18  }
0xb2: {  	[dreg:$0x5] =	wrdreg $0x9  }
0xb3: {  	_ =	task.clear_ibuf [dreg:s8], $0x6FFFF;
	_ =	strace $0x90000046  }
0xb4: {  	s29 =	simm.s32 $0x9;
	_ =	strace $0x80000048  }
0xb5: {  	_ =	swait.ge [sflag:s29], $0x1  }
0xb6: {  	[sflag:s29] =	ssyncadd.s32 $0xFFFFFFFF  }
0xb7: {  	_ =	strace $0x90000048  }
0xb8: {  	_ =	sfence  }
0xb9: {  	s30 =	sld [smem:$0x0];
	_ =	sdelay $0x2  }
0xba: {  	s31 =	sshll.u32 s1, $0xD;
	s1 =	sshrl.u32 s1, $0x2  }
0xbb: {  	s3 =	sand.u32 $0x4000, s31;
	s1 =	sadd.s32 s1, s30  }
0xbc: {  	s0 =	sor.u32 s3, s0;
	s1 =	sshll.u32 s1, $0x11  }
0xbd: {  	s0 =	sor.u32 s1, s0  }
0xbe: {  	s0 =	sadd.s32 $0x8F2B, s0  }
0xbf: {  	[sflag:s0] =	ssyncadd.remote.s32 $0x1  }
0xc0: {  	_ =	sfence.sel $0xFFFF  }
0xc1: {  	[dreg:$0x0] =	wrdreg $0xFFFFFFFF;
	(pc) =	sbr.abs _section_cstart, $3  }
0xc2: {  	[dreg:$0x1] =	wrdreg $0xFFFFFFFF  }
0xc3: {  	_ =	task.clear_ibuf [dreg:s8], $0x2FFFF;
	_ =	strace $0x9FFFFFFF  }
0xc4: {  	(tm) =	ssettm $0x7FFFFFFF  }
0xc5: {  	_ =	shalt  }
tec
execute0_lowered:
.L_overlay_start_1:
0x0: {  	(tag) =	ssettag $0x1  }
0x1: {  	s4 =	rddreg [dreg:$0x0]  }
0x2: {  	s1 =	srdreg.scid;
	s5 =	rddreg [dreg:$0x1]  }
0x3: {  	s0 =	stileid.u32;
	s2 =	rddreg [dreg:$0x2];
	s17 =	simm.s32 $0x880  }
0x4: {  	s18 =	simm.s32 $0x1080;
	s19 =	simm.s32 $0x1880;
	s21 =	simm.s32 $0x2080  }
0x5: {  	s22 =	simm.s32 $0x2880;
	s23 =	simm.s32 $0x3080;
	s24 =	simm.s32 $0x3880  }
0x6: {  	s8 =	simm.s32 $0x4080;
	s25 =	simm.s32 $0x4880;
	s1 =	sand.u32 $0x1, s1  }
0x7: {  	s26 =	simm.s32 $0x5080;
	s3 =	sshll.u32 s0, $0x7;
	s6 =	sshll.u32 s1, $0x6  }
0x8: {  	s9 =	simm.s32 $0x80;
	s6 =	sor.u32 s6, s3;
	s3 =	simm.s32 $0x0  }
0x9: {  	s11 =	simm.s32 $0x6080;
	s12 =	simm.s32 $0x6880;
	[smem:$0x7FF] =	sst s3  }
0xa: {  	s13 =	simm.s32 $0x7080;
	_ =	strace $0x80000047;
	[dreg:$0x6] =	wrdreg s17  }
0xb: {  	s14 =	simm.s32 $0x7880;
	s15 =	simm.s32 $0x8080;
	[dreg:$0x7] =	wrdreg s18  }
0xc: {  	s16 =	simm.s32 $0x8880;
	s28 =	simm.s32 $0xE080;
	[dreg:$0x8] =	wrdreg s19  }
0xd: {  	s29 =	simm.s32 $0xE880;
	s30 =	simm.s32 $0xF080;
	[dreg:$0x9] =	wrdreg s21  }
0xe: {  	s31 =	simm.s32 $0xF880;
	s1 =	ssub.s32 $0x2, s1;
	[dreg:$0xa] =	wrdreg s22  }
0xf: {  	s20 =	sshrl.u32 s1, $0x1;
	s7 =	sshrl.u32 s6, $0x3;
	[dreg:$0xb] =	wrdreg s23  }
0x10: {  	s6 =	sshll.u32 s6, $0x7;
	s1 =	ssub.s32 s1, s20;
	[dreg:$0xc] =	wrdreg s24  }
0x11: {  	s20 =	simm.s32 $0xA880;
	s5 =	sadd.s32 s7, s5;
	[dreg:$0xd] =	wrdreg s8  }
0x12: {  	s4 =	sadd.s32 s4, s6;
	s6 =	sadd.s32 $0x300, s2;
	[dreg:$0xe] =	wrdreg s25  }
0x13: {  	s7 =	smax.u32 s1, $0x1;
	s8 =	simm.s32 $0x2;
	[dreg:$0xf] =	wrdreg s26  }
0x14: {  	s17 =	simm.s32 $0x9080;
	s18 =	simm.s32 $0x9880;
	s19 =	simm.s32 $0xA080  }
0x15: {  	s21 =	simm.s32 $0xB080;
	s22 =	simm.s32 $0xB880;
	s23 =	simm.s32 $0xC080  }
0x16: {  	v2 =	vlaneseq.u32;
	s24 =	simm.s32 $0xC880;
	s25 =	simm.s32 $0xD080;
	s26 =	simm.s32 $0xD880  }
0x17: {  	vm0 =	vmmov $0xffff;
	v1 =	vshrl.u32 v2, $0x3;
	s1 =	simm.s32 $0x1;
	s5 =	sadd.s32 $0x1400, s5;
	[dreg:$0x5] =	wrdreg s4  }
0x18: {  	v0 =	vand.u32 $0x7, v2;
	v2 =	vor.u32 $0x8, v2;
	v1 =	vmul.u32 $0x8, v1;
	s4 =	sadd.s32 $0x100, s2;
	[dreg:$0x4] =	wrdreg s5;
	s5 =	sadd.s32 $0x200, s2  }
.LBB2_1:
0x19: {  	s0 =	rddreg [dreg:$0x4]  }
0x1a: {  	[tilespmem:s3], [sflag:$0x2] =	stream.linear.gather [hbm4b:s0+s3], $0x40, $0x38;
	[tilespmem:$0x10080] =	vst v63  }
0x1b: {  	_ =	swait.ge [sflag:s8], $0x40  }
0x1c: {  	[sflag:s8] =	ssyncset.done $0x0  }
0x1d: {  	s10 =	rddreg [dreg:$0x5];
	[sflag:s8] =	ssyncadd.s32 $0xFFFFFFC0  }
0x1e: {  	[tilespmem:s9], [sflag:$0x2] =	stream.linear.gather [hbm4b:s10+s3], $0x10000, $0x38;
	[tilespmem:$0x10080] =	vst v63  }
0x1f: {  	_ =	swait.ge [sflag:s8], $0x10000  }
0x20: {  	[sflag:s8] =	ssyncset.done $0x0  }
0x21: {  	[sflag:s8] =	ssyncadd.s32 $0xFFFF0000  }
0x22: {  	v3 =	vld [tilespmem:$0x0];
	_ =	sdelay $0x4  }
0x23: {  	v4 =	vshll.u32 v3, $0x3  }
0x24: {  	v3 =	vand.u32 $0x7, v3;
	v4 =	vand.u32 $0xFFFFFFC0, v4  }
0x25: {  	v3 =	vor.u32 v3, v4  }
0x26: {  	v4 =	vperm.xlane v3, v0;
	_ =	sdelay $0x1  }
0x27: {  	v4 =	vadd.s32 v1, v4;
	_ =	sdelay $0x4  }
0x28: {  	[hbm4b:s2+s3] =	stream.indirect_vreg.scatter [tilespmem:s9], [sflag:$0x1], $0x80, v4, vm0, $0xb8;
	[tilespmem:$0x10080] =	vst v63  }
0x29: {  	s0 =	rddreg [dreg:$0x6];
	v3 =	vperm.xlane v3, v2  }
0x2a: {  	[hbm4b:s4+s3] =	stream.indirect_vreg.scatter [tilespmem:s0], [sflag:$0x1], $0x80, v4, vm0, $0xb8;
	[tilespmem:$0x10080] =	vst v63  }
0x2b: {  	s10 =	rddreg [dreg:$0x7];
	v3 =	vadd.s32 v1, v3  }
0x2c: {  	[hbm4b:s5+s3] =	stream.indirect_vreg.scatter [tilespmem:s10], [sflag:$0x1], $0x80, v4, vm0, $0xb8;
	[tilespmem:$0x10080] =	vst v63  }
0x2d: {  	s0 =	rddreg [dreg:$0x8]  }
0x2e: {  	[hbm4b:s6+s3] =	stream.indirect_vreg.scatter [tilespmem:s0], [sflag:$0x1], $0x80, v4, vm0, $0xb8;
	[tilespmem:$0x10080] =	vst v63  }
0x2f: {  	s10 =	rddreg [dreg:$0x9]  }
0x30: {  	[hbm4b:s2+s3] =	stream.indirect_vreg.scatter [tilespmem:s10], [sflag:$0x1], $0x80, v3, vm0, $0xb8;
	[tilespmem:$0x10080] =	vst v63  }
0x31: {  	s0 =	rddreg [dreg:$0xa]  }
0x32: {  	[hbm4b:s4+s3] =	stream.indirect_vreg.scatter [tilespmem:s0], [sflag:$0x1], $0x80, v3, vm0, $0xb8;
	[tilespmem:$0x10080] =	vst v63  }
0x33: {  	s10 =	rddreg [dreg:$0xb]  }
0x34: {  	[hbm4b:s5+s3] =	stream.indirect_vreg.scatter [tilespmem:s10], [sflag:$0x1], $0x80, v3, vm0, $0xb8;
	[tilespmem:$0x10080] =	vst v63  }
0x35: {  	s0 =	rddreg [dreg:$0xc]  }
0x36: {  	[hbm4b:s6+s3] =	stream.indirect_vreg.scatter [tilespmem:s0], [sflag:$0x1], $0x80, v3, vm0, $0xb8;
	[tilespmem:$0x10080] =	vst v63  }
0x37: {  	v3 =	vld [tilespmem:$0x10];
	_ =	sdelay $0x4  }
0x38: {  	v61 =	vshll.u32 v3, $0x3  }
0x39: {  	v3 =	vand.u32 $0x7, v3;
	v4 =	vand.u32 $0xFFFFFFC0, v61  }
0x3a: {  	v3 =	vor.u32 v3, v4  }
0x3b: {  	v4 =	vperm.xlane v3, v0;
	_ =	sdelay $0x1  }
0x3c: {  	v4 =	vadd.s32 v1, v4;
	_ =	sdelay $0x3  }
0x3d: {  	s0 =	rddreg [dreg:$0xd]  }
0x3e: {  	[hbm4b:s2+s3] =	stream.indirect_vreg.scatter [tilespmem:s0], [sflag:$0x1], $0x80, v4, vm0, $0xb8;
	[tilespmem:$0x10080] =	vst v63  }
0x3f: {  	s10 =	rddreg [dreg:$0xe];
	v3 =	vperm.xlane v3, v2  }
0x40: {  	[hbm4b:s4+s3] =	stream.indirect_vreg.scatter [tilespmem:s10], [sflag:$0x1], $0x80, v4, vm0, $0xb8;
	[tilespmem:$0x10080] =	vst v63  }
0x41: {  	v3 =	vadd.s32 v1, v3;
	s0 =	rddreg [dreg:$0xf]  }
0x42: {  	[hbm4b:s5+s3] =	stream.indirect_vreg.scatter [tilespmem:s0], [sflag:$0x1], $0x80, v4, vm0, $0xb8;
	[tilespmem:$0x10080] =	vst v63  }
0x43: {  	s10 =	simm.s32 $0x5880  }
0x44: {  	[hbm4b:s6+s3] =	stream.indirect_vreg.scatter [tilespmem:s10], [sflag:$0x1], $0x80, v4, vm0, $0xb8;
	[tilespmem:$0x10080] =	vst v63  }
0x45: {  	_ = 	snop  }
0x46: {  	[hbm4b:s2+s3] =	stream.indirect_vreg.scatter [tilespmem:s11], [sflag:$0x1], $0x80, v3, vm0, $0xb8;
	[tilespmem:$0x10080] =	vst v63  }
0x47: {  	_ = 	snop  }
0x48: {  	[hbm4b:s4+s3] =	stream.indirect_vreg.scatter [tilespmem:s12], [sflag:$0x1], $0x80, v3, vm0, $0xb8;
	[tilespmem:$0x10080] =	vst v63  }
0x49: {  	_ = 	snop  }
0x4a: {  	[hbm4b:s5+s3] =	stream.indirect_vreg.scatter [tilespmem:s13], [sflag:$0x1], $0x80, v3, vm0, $0xb8;
	[tilespmem:$0x10080] =	vst v63  }
0x4b: {  	_ = 	snop  }
0x4c: {  	[hbm4b:s6+s3] =	stream.indirect_vreg.scatter [tilespmem:s14], [sflag:$0x1], $0x80, v3, vm0, $0xb8;
	[tilespmem:$0x10080] =	vst v63  }
0x4d: {  	v3 =	vld [tilespmem:$0x20];
	_ =	sdelay $0x4  }
0x4e: {  	v62 =	vshll.u32 v3, $0x3  }
0x4f: {  	v3 =	vand.u32 $0x7, v3;
	v4 =	vand.u32 $0xFFFFFFC0, v62  }
0x50: {  	v3 =	vor.u32 v3, v4  }
0x51: {  	v4 =	vperm.xlane v3, v0;
	_ =	sdelay $0x1  }
0x52: {  	v4 =	vadd.s32 v1, v4;
	_ =	sdelay $0x4  }
0x53: {  	[hbm4b:s2+s3] =	stream.indirect_vreg.scatter [tilespmem:s15], [sflag:$0x1], $0x80, v4, vm0, $0xb8;
	[tilespmem:$0x10080] =	vst v63  }
0x54: {  	v3 =	vperm.xlane v3, v2  }
0x55: {  	[hbm4b:s4+s3] =	stream.indirect_vreg.scatter [tilespmem:s16], [sflag:$0x1], $0x80, v4, vm0, $0xb8;
	[tilespmem:$0x10080] =	vst v63  }
0x56: {  	v3 =	vadd.s32 v1, v3  }
0x57: {  	[hbm4b:s5+s3] =	stream.indirect_vreg.scatter [tilespmem:s17], [sflag:$0x1], $0x80, v4, vm0, $0xb8;
	[tilespmem:$0x10080] =	vst v63  }
0x58: {  	_ = 	snop  }
0x59: {  	[hbm4b:s6+s3] =	stream.indirect_vreg.scatter [tilespmem:s18], [sflag:$0x1], $0x80, v4, vm0, $0xb8;
	[tilespmem:$0x10080] =	vst v63  }
0x5a: {  	_ = 	snop  }
0x5b: {  	[hbm4b:s2+s3] =	stream.indirect_vreg.scatter [tilespmem:s19], [sflag:$0x1], $0x80, v3, vm0, $0xb8;
	[tilespmem:$0x10080] =	vst v63  }
0x5c: {  	_ = 	snop  }
0x5d: {  	[hbm4b:s4+s3] =	stream.indirect_vreg.scatter [tilespmem:s20], [sflag:$0x1], $0x80, v3, vm0, $0xb8;
	[tilespmem:$0x10080] =	vst v63  }
0x5e: {  	_ = 	snop  }
0x5f: {  	[hbm4b:s5+s3] =	stream.indirect_vreg.scatter [tilespmem:s21], [sflag:$0x1], $0x80, v3, vm0, $0xb8;
	[tilespmem:$0x10080] =	vst v63  }
0x60: {  	_ = 	snop  }
0x61: {  	[hbm4b:s6+s3] =	stream.indirect_vreg.scatter [tilespmem:s22], [sflag:$0x1], $0x80, v3, vm0, $0xb8;
	[tilespmem:$0x10080] =	vst v63  }
0x62: {  	v3 =	vld [tilespmem:$0x30];
	_ =	sdelay $0x4  }
0x63: {  	v63 =	vshll.u32 v3, $0x3  }
0x64: {  	v3 =	vand.u32 $0x7, v3;
	v4 =	vand.u32 $0xFFFFFFC0, v63  }
0x65: {  	v3 =	vor.u32 v3, v4  }
0x66: {  	v4 =	vperm.xlane v3, v0;
	_ =	sdelay $0x1  }
0x67: {  	v4 =	vadd.s32 v1, v4;
	_ =	sdelay $0x4  }
0x68: {  	[hbm4b:s2+s3] =	stream.indirect_vreg.scatter [tilespmem:s23], [sflag:$0x1], $0x80, v4, vm0, $0xb8;
	[tilespmem:$0x10080] =	vst v63  }
0x69: {  	v3 =	vperm.xlane v3, v2  }
0x6a: {  	[hbm4b:s4+s3] =	stream.indirect_vreg.scatter [tilespmem:s24], [sflag:$0x1], $0x80, v4, vm0, $0xb8;
	[tilespmem:$0x10080] =	vst v63  }
0x6b: {  	v3 =	vadd.s32 v1, v3  }
0x6c: {  	[hbm4b:s5+s3] =	stream.indirect_vreg.scatter [tilespmem:s25], [sflag:$0x1], $0x80, v4, vm0, $0xb8;
	[tilespmem:$0x10080] =	vst v63  }
0x6d: {  	_ = 	snop  }
0x6e: {  	[hbm4b:s6+s3] =	stream.indirect_vreg.scatter [tilespmem:s26], [sflag:$0x1], $0x80, v4, vm0, $0xb8;
	[tilespmem:$0x10080] =	vst v63  }
0x6f: {  	_ = 	snop  }
0x70: {  	[hbm4b:s2+s3] =	stream.indirect_vreg.scatter [tilespmem:s28], [sflag:$0x1], $0x80, v3, vm0, $0xb8;
	[tilespmem:$0x10080] =	vst v63  }
0x71: {  	_ = 	snop  }
0x72: {  	[hbm4b:s4+s3] =	stream.indirect_vreg.scatter [tilespmem:s29], [sflag:$0x1], $0x80, v3, vm0, $0xb8;
	[tilespmem:$0x10080] =	vst v63  }
0x73: {  	p0 =	sne.s32 s7, $0x1  }
0x74: {  	[hbm4b:s5+s3] =	stream.indirect_vreg.scatter [tilespmem:s30], [sflag:$0x1], $0x80, v3, vm0, $0xb8;
	[tilespmem:$0x10080] =	vst v63  }
.Ltmp0:
0x75: {  	_ = 	snop;
	(pc) =	sbr.rel @p0 .LBB2_1-.Ltmp0, $4  }
0x76: {  	[hbm4b:s6+s3] =	stream.indirect_vreg.scatter [tilespmem:s31], [sflag:$0x1], $0x80, v3, vm0, $0xb8;
	[tilespmem:$0x10080] =	vst v63  }
0x77: {  	_ =	swait.ge [sflag:s1], $0x10000  }
0x78: {  	[sflag:s1] =	ssyncset.done $0x0  }
0x79: {  	s7 =	sadd.s32 $0xFFFFFFFF, s7;
	[sflag:s1] =	ssyncadd.s32 $0xFFFF0000  }
0x7a: {  	_ =	sfence.sel $0x180000  }
0x7b: {  	[bflag:$0x0] =	sbarrier.arrive $0xFFFF  }
0x7c: {  	_ =	strace $0x90000047  }
0x7d: {  	s0 =	stileid.u32;
	[bflag:$0x2] =	sbarrier.arrive $0xFFFF  }
0x7e: {  	p0 =	sne.s32 s0, $0x0;
	s0 =	rddreg [dreg:$0x3]  }
0x7f: {  	s0 =	sadd.s32 @!p0 $0x100000, s0  }
0x80: {  	[sflag:s0] =	ssyncadd.tile.s32 @!p0 $0x1;
	_ =	shalt  }
.Lfunc_end2:
_tile_overlayer_lowered:
.L_overlay_start_2:
0x81: {  	(tag) =	ssettag $0x2  }
0x82: {  	s0 =	rddreg [dreg:$0x0];
	s2 =	stileid.u32  }
0x83: {  	s1 =	rddreg [dreg:$0x1];
	p0 =	sne.s32 s2, $0x0  }
0x84: {  	s3 =	rddreg [dreg:$0x2];
	[bflag:$0x3] =	sbarrier.arrive $0xFFFF;
	s2 =	simm.s32 @!p0 $0x1C02  }
0x85: {  	[timem:s3], [sflag:s2] =	dma.local @!p0 [hbm:s0], s1  }
0x86: {  	s0 =	simm.s32 @!p0 $0x2  }
0x87: {  	_ =	swait.ge @!p0 [sflag:s0], s1  }
0x88: {  	s1 =	ssub.s32 @!p0 $0x0, s1;
	[sflag:s0] =	ssyncset.done @!p0 $0x0  }
0x89: {  	[sflag:s0] =	ssyncadd.s32 @!p0 s1  }
0x8a: {  	[bflag:$0x3] =	sbarrier.arrive $0xFFFF  }
0x8b: {  	_ =	shalt  }

// kernel: kernel.9.cloned.1.call-start
scs
__scs_entry_jumppad:
0x0: {  	(pc) =	sbr.rel $0x88, $3  }
0x1: {  	(tag) =	ssettag $0x0;
	lr =	simm.s32 $0x1  }
0x2: {  	[smem:$0x3F9B] =	sst lr;
	_ =	strace $0xD0000000  }
0x3: {  	_ = 	snop  }
0x4: {  	_ = 	snop  }
0x5: {  	_ = 	snop  }
0x6: {  	_ = 	snop  }
0x7: {  	_ = 	snop  }
__scs_overlays_trampoline_lowered:
0x8: {  	[smem:$0x3FAA] =	sst s0  }
0x9: {  	[smem:$0x3FAB] =	sst s1  }
0xa: {  	[smem:$0x3FAC] =	sst s2  }
0xb: {  	[smem:$0x3FAD] =	sst s3  }
0xc: {  	[smem:$0x3FAE] =	sst s4  }
0xd: {  	[smem:$0x3FAF] =	sst s5  }
0xe: {  	[smem:$0x3FB0] =	sst s6  }
0xf: {  	[smem:$0x3FB1] =	sst s7  }
0x10: {  	[smem:$0x3FB2] =	sst s8  }
0x11: {  	[smem:$0x3FB3] =	sst s9;
	s0 =	simm.s32 @!p0 $0x0  }
0x12: {  	s1 =	sld [smem:$0x3F99];
	s0 =	simm.s32 @p0 $0x1  }
0x13: {  	[smem:$0x3FB4] =	sst s0;
	s0 =	simm.s32 @!p1 $0x0  }
0x14: {  	s2 =	sld [smem:$0x3F98];
	s0 =	simm.s32 @p1 $0x1  }
0x15: {  	[smem:$0x3FB5] =	sst s0;
	s0 =	simm.s32 @!p2 $0x0  }
0x16: {  	s3 =	sld [smem:$0x3FDB];
	s0 =	simm.s32 @p2 $0x1  }
0x17: {  	s4 =	simm.s32 $0x1BF5;
	[smem:$0x3FB7] =	sst s0  }
0x18: {  	s0 =	sld [smem:$0x3F9A];
	_ =	swait.ge [sflag:s4], $0x0  }
0x19: {  	s7 =	sld [smem:$0x3F9B]  }
0x1a: {  	s8 =	sadd.s32 $0xFFFFE003, lr  }
0x1b: {  	s9 =	sadd.s32 $0xFFFFFEF7, lr;
	s5 =	simm.s32 $0xFFFFFFFF;
	p2 =	slt.u32 s8, $0xFFFFF086  }
0x1c: {  	p1 =	slt.u32 s9, $0xF7A;
	s5 =	simm.s32 @!p2 $0x0  }
0x1d: {  	s5 =	simm.s32 @p1 $0x1;
	p0 =	seq.s32 s7, s2  }
0x1e: {  	s7 =	smul.u32 @!p0 $0xF7A, s2;
	p2 =	seq.s32 @!p0 s5, $0x0  }
0x1f: {  	s9 =	smul.u32 $0xF7A, s1;
	s8 =	simm.s32 @!p0 $0x1BF5;
	p2 =	por !p2, p0  }
0x20: {  	[sflag:s8] =	ssyncset.s32 @!p0 $0xFFFFF086;
	s6 =	sadd.s32 @!p0 s3, s7;
	s7 =	simm.s32 @!p0 $0x108  }
0x21: {  	s3 =	sadd.s32 s3, s9;
	s6 =	sadd.s32 @!p0 $0x88, s6;
	s7 =	simm.s32 @p2 $0x1082  }
0x22: {  	[simem:s7], [sflag:s8] =	dma.local @!p0 [hbm:s6], $0xF7A  }
0x23: {  	s9 =	sor.u32 $0xD0000000, s2;
	s6 =	simm.s32 $0x108;
	_ =	swait.ge @!p0 [sflag:s8], $0x0  }
0x24: {  	s3 =	sadd.s32 $0x88, s3;
	s6 =	simm.s32 @!p1 $0x1082;
	[sflag:s4] =	ssyncset.s32 $0xFFFFF086  }
0x25: {  	[simem:s6], [sflag:s4] =	dma.local [hbm:s3], $0xF7A  }
0x26: {  	[smem:$0x3F9B] =	sst s1;
	(tag) =	ssettag s2;
	_ =	strace s9  }
0x27: {  	s1 =	sld [smem:$0x3FAB]  }
0x28: {  	s2 =	sld [smem:$0x3FAC]  }
0x29: {  	s4 =	sld [smem:$0x3FAE]  }
0x2a: {  	p0 =	seq.s32 s5, $0x0;
	s5 =	sld [smem:$0x3FAF]  }
0x2b: {  	s6 =	sld [smem:$0x3FB0]  }
0x2c: {  	s7 =	sld [smem:$0x3FB1]  }
0x2d: {  	s3 =	simm.s32 $0x108;
	s8 =	sld [smem:$0x3FB2]  }
0x2e: {  	s3 =	simm.s32 @!p0 $0x1082;
	s9 =	sld [smem:$0x3FB3]  }
0x2f: {  	lr =	sadd.s32 s0, s3;
	s0 =	sld [smem:$0x3FAA]  }
0x30: {  	s3 =	sld [smem:$0x3FAD]  }
0x31: {  	[smem:$0x3FB6] =	sst s10  }
0x32: {  	s10 =	sld [smem:$0x3FB4];
	_ =	sdelay $0x3  }
0x33: {  	p0 =	seq.s32 s10, $0x1;
	s10 =	sld [smem:$0x3FB6];
	_ =	sdelay $0x3  }
0x34: {  	[smem:$0x3FB6] =	sst s10  }
0x35: {  	s10 =	sld [smem:$0x3FB5];
	_ =	sdelay $0x3  }
0x36: {  	p1 =	seq.s32 s10, $0x1;
	s10 =	sld [smem:$0x3FB6];
	_ =	sdelay $0x3  }
0x37: {  	[smem:$0x3FB6] =	sst s10  }
0x38: {  	s10 =	sld [smem:$0x3FB7]  }
0x39: {  	_ = 	snop;
	(pc) =	sbr.ind lr, $3  }
0x3a: {  	_ = 	snop  }
0x3b: {  	_ = 	snop  }
0x3c: {  	p2 =	seq.s32 s10, $0x1;
	s10 =	sld [smem:$0x3FB6]  }
0x3d: {  	_ =	shalt  }
0x3e: {  	_ =	shalt  }
0x3f: {  	_ =	shalt  }
0x40: {  	_ =	shalt  }
0x41: {  	_ =	shalt  }
0x42: {  	_ =	shalt  }
0x43: {  	_ =	shalt  }
0x44: {  	_ =	shalt  }
0x45: {  	_ =	shalt  }
0x46: {  	_ =	shalt  }
0x47: {  	_ =	shalt  }
0x48: {  	_ =	shalt  }
0x49: {  	_ =	shalt  }
0x4a: {  	_ =	shalt  }
0x4b: {  	_ =	shalt  }
0x4c: {  	_ =	shalt  }
0x4d: {  	_ =	shalt  }
0x4e: {  	_ =	shalt  }
0x4f: {  	_ =	shalt  }
0x50: {  	_ =	shalt  }
0x51: {  	_ =	shalt  }
0x52: {  	_ =	shalt  }
0x53: {  	_ =	shalt  }
0x54: {  	_ =	shalt  }
0x55: {  	_ =	shalt  }
0x56: {  	_ =	shalt  }
0x57: {  	_ =	shalt  }
0x58: {  	_ =	shalt  }
0x59: {  	_ =	shalt  }
0x5a: {  	_ =	shalt  }
0x5b: {  	_ =	shalt  }
0x5c: {  	_ =	shalt  }
0x5d: {  	_ =	shalt  }
0x5e: {  	_ =	shalt  }
0x5f: {  	_ =	shalt  }
0x60: {  	_ =	shalt  }
0x61: {  	_ =	shalt  }
0x62: {  	_ =	shalt  }
0x63: {  	_ =	shalt  }
0x64: {  	_ =	shalt  }
0x65: {  	_ =	shalt  }
0x66: {  	_ =	shalt  }
0x67: {  	_ =	shalt  }
0x68: {  	_ =	shalt  }
0x69: {  	_ =	shalt  }
0x6a: {  	_ =	shalt  }
0x6b: {  	_ =	shalt  }
0x6c: {  	_ =	shalt  }
0x6d: {  	_ =	shalt  }
0x6e: {  	_ =	shalt  }
0x6f: {  	_ =	shalt  }
0x70: {  	_ =	shalt  }
0x71: {  	_ =	shalt  }
0x72: {  	_ =	shalt  }
0x73: {  	_ =	shalt  }
0x74: {  	_ =	shalt  }
0x75: {  	_ =	shalt  }
0x76: {  	_ =	shalt  }
0x77: {  	_ =	shalt  }
0x78: {  	_ =	shalt  }
0x79: {  	_ =	shalt  }
0x7a: {  	_ =	shalt  }
0x7b: {  	_ =	shalt  }
0x7c: {  	_ =	shalt  }
0x7d: {  	_ =	shalt  }
0x7e: {  	_ =	shalt  }
0x7f: {  	_ =	shalt  }
0x80: {  	_ =	shalt  }
0x81: {  	_ =	shalt  }
0x82: {  	_ =	shalt  }
0x83: {  	_ =	shalt  }
0x84: {  	_ =	shalt  }
0x85: {  	_ =	shalt  }
0x86: {  	_ =	shalt  }
0x87: {  	_ =	shalt  }
.Lfunc_end0:
.L_simem_size_0:
called_computation.1_lowered:
.L_overlay_start_0:
0x88: {  	s2 =	sld [smem:$0x3FD9]  }
0x89: {  	s3 =	sld [smem:$0x3FFE];
	_ =	sdelay $0x1  }
0x8a: {  	s1 =	srdreg.scid  }
0x8b: {  	s0 =	sand.u32 $0x1, s1  }
0x8c: {  	s17 =	sshll.u32 s0, $0xA;
	s2 =	sadd.s32 s3, s2  }
0x8d: {  	s2 =	sadd.s32 s2, s17  }
0x8e: {  	[smem:$0x3FC2] =	sst s2  }
0x8f: {  	_ = 	snop  }
0x90: {  	s2 =	sld [smem:$0x3FD0];
	(tm) =	ssettm $0x1  }
0x91: {  	s18 =	sld [smem:$0x3FFB];
	_ =	sdelay $0x3  }
0x92: {  	_ =	strace s18  }
0x93: {  	s3 =	sld [smem:$0x3FFC];
	_ =	sdelay $0x3  }
0x94: {  	_ =	strace s3  }
0x95: {  	s3 =	sld [smem:$0x3FFD];
	_ =	sdelay $0x3  }
0x96: {  	_ =	strace s3  }
0x97: {  	_ =	strace $0x8FFFFFFF  }
0x98: {  	s19 =	sld [smem:$0x3FDB];
	_ =	sdelay $0x1  }
0x99: {  	s4 =	simm.s32 $_scs_section_size  }
0x9a: {  	s5 =	simm.s32 $_size__tile_overlayer_lowered;
	s6 =	simm.s32 $_tile_overlayer_lowered  }
0x9b: {  	s22 =	simm.s32 $0x1BFF;
	s21 =	sshll.u32 s6, $0x1;
	s3 =	sadd.s32 s4, s19  }
0x9c: {  	s7 =	simm.s32 $0x0;
	s20 =	sshll.u32 s5, $0x1;
	s5 =	sadd.s32 s21, s3  }
0x9d: {  	[timem:s7], [sflag:s22] =	dma.local [hbm:s5], s20  }
0x9e: {  	_ =	swait.ge [sflag:s22], s20  }
0x9f: {  	s4 =	ssub.s32 $0x0, s20;
	[sflag:s22] =	ssyncset.done $0x0  }
0xa0: {  	[sflag:s22] =	ssyncadd.s32 s4;
	_ =	sdelay $0x1  }
0xa1: {  	s23 =	simm.s32 $0x1B8B  }
0xa2: {  	_ =	swait.ge [sflag:s23], $0x1  }
0xa3: {  	[sflag:s23] =	ssyncset.done $0x0  }
0xa4: {  	s25 =	simm.s32 $0x1B8E;
	s24 =	sld [smem:$0x3FFE];
	[sflag:s23] =	ssyncadd.s32 $0xFFFFFFFF  }
0xa5: {  	s26 =	simm.s32 $execute0_lowered;
	[smem:$0x3FD2] =	sst s25  }
0xa6: {  	s5 =	sshll.u32 s26, $0x1;
	_ =	strace $0x80000049;
	[dreg:$0x1] =	wrdreg $0xFFFFFFFF  }
0xa7: {  	s28 =	simm.s32 $_size_execute0_lowered;
	s3 =	sadd.s32 s3, s5;
	[dreg:$0x0] =	wrdreg $0x0  }
0xa8: {  	s5 =	sshll.u32 s28, $0x1;
	[dreg:$0x2] =	wrdreg s3  }
0xa9: {  	[dreg:$0x3] =	wrdreg s5  }
0xaa: {  	[dreg:$0x4] =	wrdreg $0xC0  }
0xab: {  	_ =	task [dreg:s7], $0x5FFFF  }
0xac: {  	[dreg:$0x1] =	wrdreg $0xFFFFFFFF  }
0xad: {  	[dreg:$0x0] =	wrdreg $0x60  }
0xae: {  	[dreg:$0x2] =	wrdreg s24  }
0xaf: {  	[dreg:$0x3] =	wrdreg s2  }
0xb0: {  	[dreg:$0x4] =	wrdreg $0x9  }
0xb1: {  	_ =	task.clear_ibuf [dreg:s7], $0x5FFFF;
	_ =	strace $0x90000049  }
0xb2: {  	s29 =	simm.s32 $0x9;
	_ =	strace $0x8000004B  }
0xb3: {  	_ =	swait.ge [sflag:s29], $0x1  }
0xb4: {  	[sflag:s29] =	ssyncadd.s32 $0xFFFFFFFF  }
0xb5: {  	_ =	strace $0x9000004B  }
0xb6: {  	_ =	sfence  }
0xb7: {  	s30 =	sld [smem:$0x0];
	_ =	sdelay $0x2  }
0xb8: {  	s31 =	sshll.u32 s1, $0xD;
	s1 =	sshrl.u32 s1, $0x2  }
0xb9: {  	s3 =	sand.u32 $0x4000, s31;
	s1 =	sadd.s32 s1, s30  }
0xba: {  	s0 =	sor.u32 s3, s0;
	s1 =	sshll.u32 s1, $0x11  }
0xbb: {  	s0 =	sor.u32 s1, s0  }
0xbc: {  	s0 =	sadd.s32 $0x8F2B, s0  }
0xbd: {  	[sflag:s0] =	ssyncadd.remote.s32 $0x1  }
0xbe: {  	_ =	sfence.sel $0xFFFF  }
0xbf: {  	[dreg:$0x0] =	wrdreg $0xFFFFFFFF;
	(pc) =	sbr.abs _section_cstart, $3  }
0xc0: {  	[dreg:$0x1] =	wrdreg $0xFFFFFFFF  }
0xc1: {  	_ =	task.clear_ibuf [dreg:s7], $0x2FFFF;
	_ =	strace $0x9FFFFFFF  }
0xc2: {  	(tm) =	ssettm $0x7FFFFFFF  }
0xc3: {  	_ =	shalt  }
tec
execute0_lowered:
.L_overlay_start_1:
0x0: {  	(tag) =	ssettag $0x1  }
0x1: {  	s1 =	srdreg.scid  }
0x2: {  	s0 =	stileid.u32;
	s6 =	rddreg [dreg:$0x0]  }
0x3: {  	s4 =	rddreg [dreg:$0x1];
	s18 =	simm.s32 $0x880;
	s19 =	simm.s32 $0x1080  }
0x4: {  	s20 =	simm.s32 $0x1880;
	s22 =	simm.s32 $0x2080;
	s23 =	simm.s32 $0x2880  }
0x5: {  	s7 =	simm.s32 $0x3080;
	s24 =	simm.s32 $0x3880;
	s8 =	simm.s32 $0x4080  }
0x6: {  	s25 =	simm.s32 $0x4880;
	s26 =	simm.s32 $0x5080;
	s1 =	sand.u32 $0x1, s1  }
0x7: {  	s9 =	simm.s32 $0x80;
	s2 =	sshll.u32 s0, $0x7;
	s3 =	sshll.u32 s1, $0x6  }
0x8: {  	s11 =	simm.s32 $0x6080;
	s3 =	sor.u32 s3, s2;
	s2 =	simm.s32 $0x0  }
0x9: {  	s12 =	simm.s32 $0x6880;
	s13 =	simm.s32 $0x7080;
	[smem:$0x7FF] =	sst s2  }
0xa: {  	s14 =	simm.s32 $0x7880;
	_ =	strace $0x8000004A;
	[dreg:$0x5] =	wrdreg s18  }
0xb: {  	s15 =	simm.s32 $0x8080;
	s16 =	simm.s32 $0x8880;
	[dreg:$0x6] =	wrdreg s19  }
0xc: {  	s17 =	simm.s32 $0x9080;
	s28 =	simm.s32 $0xE080;
	[dreg:$0x7] =	wrdreg s20  }
0xd: {  	s29 =	simm.s32 $0xE880;
	s30 =	simm.s32 $0xF080;
	[dreg:$0x8] =	wrdreg s22  }
0xe: {  	s31 =	simm.s32 $0xF880;
	s1 =	ssub.s32 $0x2, s1;
	[dreg:$0x9] =	wrdreg s23  }
0xf: {  	s21 =	sshrl.u32 s1, $0x1;
	s5 =	sshrl.u32 s3, $0x3;
	[dreg:$0xa] =	wrdreg s7  }
0x10: {  	s3 =	sshll.u32 s3, $0x7;
	s1 =	ssub.s32 s1, s21;
	[dreg:$0xb] =	wrdreg s24  }
0x11: {  	s21 =	simm.s32 $0xB080;
	s5 =	sadd.s32 s5, s6;
	[dreg:$0xc] =	wrdreg s8  }
0x12: {  	s3 =	sadd.s32 s4, s3;
	s4 =	sadd.s32 $0x7700, s6;
	[dreg:$0xd] =	wrdreg s25  }
0x13: {  	s7 =	smax.u32 s1, $0x1;
	s8 =	simm.s32 $0x2;
	[dreg:$0xe] =	wrdreg s26  }
0x14: {  	s18 =	simm.s32 $0x9880;
	s19 =	simm.s32 $0xA080;
	s20 =	simm.s32 $0xA880  }
0x15: {  	s22 =	simm.s32 $0xB880;
	s23 =	simm.s32 $0xC080;
	s24 =	simm.s32 $0xC880  }
0x16: {  	v2 =	vlaneseq.u32;
	s25 =	simm.s32 $0xD080;
	s26 =	simm.s32 $0xD880;
	s1 =	simm.s32 $0x1  }
0x17: {  	vm0 =	vmmov $0xffff;
	v1 =	vshrl.u32 v2, $0x3;
	s5 =	sadd.s32 $0x1400, s5;
	[dreg:$0x4] =	wrdreg s3;
	s3 =	sadd.s32 $0x7600, s6  }
0x18: {  	v0 =	vand.u32 $0x7, v2;
	v2 =	vor.u32 $0x8, v2;
	v1 =	vmul.u32 $0x8, v1;
	[dreg:$0x3] =	wrdreg s5;
	s5 =	sadd.s32 $0x7800, s6;
	s6 =	sadd.s32 $0x7900, s6  }
.LBB2_1:
0x19: {  	s0 =	rddreg [dreg:$0x3]  }
0x1a: {  	[tilespmem:s2], [sflag:$0x2] =	stream.linear.gather [hbm4b:s0+s2], $0x40, $0x38;
	[tilespmem:$0x10080] =	vst v63  }
0x1b: {  	_ =	swait.ge [sflag:s8], $0x40  }
0x1c: {  	[sflag:s8] =	ssyncset.done $0x0  }
0x1d: {  	[sflag:s8] =	ssyncadd.s32 $0xFFFFFFC0  }
0x1e: {  	v3 =	vld [tilespmem:$0x0];
	_ =	sdelay $0x4  }
0x1f: {  	v4 =	vshll.u32 v3, $0x3  }
0x20: {  	v3 =	vand.u32 $0x7, v3;
	v4 =	vand.u32 $0xFFFFFFC0, v4  }
0x21: {  	v3 =	vor.u32 v3, v4  }
0x22: {  	v4 =	vperm.xlane v3, v0;
	_ =	sdelay $0x1  }
0x23: {  	v4 =	vadd.s32 v1, v4;
	_ =	sdelay $0x4  }
0x24: {  	[tilespmem:s9], [sflag:$0x1] =	stream.indirect_vreg.gather [hbm4b:s3+s2], $0x80, v4, vm0, $0xb8;
	[tilespmem:$0x10080] =	vst v63  }
0x25: {  	s0 =	rddreg [dreg:$0x5];
	v3 =	vperm.xlane v3, v2  }
0x26: {  	[tilespmem:s0], [sflag:$0x1] =	stream.indirect_vreg.gather [hbm4b:s4+s2], $0x80, v4, vm0, $0xb8;
	[tilespmem:$0x10080] =	vst v63  }
0x27: {  	s10 =	rddreg [dreg:$0x6];
	v3 =	vadd.s32 v1, v3  }
0x28: {  	[tilespmem:s10], [sflag:$0x1] =	stream.indirect_vreg.gather [hbm4b:s5+s2], $0x80, v4, vm0, $0xb8;
	[tilespmem:$0x10080] =	vst v63  }
0x29: {  	s0 =	rddreg [dreg:$0x7]  }
0x2a: {  	[tilespmem:s0], [sflag:$0x1] =	stream.indirect_vreg.gather [hbm4b:s6+s2], $0x80, v4, vm0, $0xb8;
	[tilespmem:$0x10080] =	vst v63  }
0x2b: {  	s10 =	rddreg [dreg:$0x8]  }
0x2c: {  	[tilespmem:s10], [sflag:$0x1] =	stream.indirect_vreg.gather [hbm4b:s3+s2], $0x80, v3, vm0, $0xb8;
	[tilespmem:$0x10080] =	vst v63  }
0x2d: {  	s0 =	rddreg [dreg:$0x9]  }
0x2e: {  	[tilespmem:s0], [sflag:$0x1] =	stream.indirect_vreg.gather [hbm4b:s4+s2], $0x80, v3, vm0, $0xb8;
	[tilespmem:$0x10080] =	vst v63  }
0x2f: {  	s10 =	rddreg [dreg:$0xa]  }
0x30: {  	[tilespmem:s10], [sflag:$0x1] =	stream.indirect_vreg.gather [hbm4b:s5+s2], $0x80, v3, vm0, $0xb8;
	[tilespmem:$0x10080] =	vst v63  }
0x31: {  	s0 =	rddreg [dreg:$0xb]  }
0x32: {  	[tilespmem:s0], [sflag:$0x1] =	stream.indirect_vreg.gather [hbm4b:s6+s2], $0x80, v3, vm0, $0xb8;
	[tilespmem:$0x10080] =	vst v63  }
0x33: {  	v3 =	vld [tilespmem:$0x10];
	_ =	sdelay $0x4  }
0x34: {  	v61 =	vshll.u32 v3, $0x3  }
0x35: {  	v3 =	vand.u32 $0x7, v3;
	v4 =	vand.u32 $0xFFFFFFC0, v61  }
0x36: {  	v3 =	vor.u32 v3, v4  }
0x37: {  	v4 =	vperm.xlane v3, v0;
	_ =	sdelay $0x1  }
0x38: {  	v4 =	vadd.s32 v1, v4;
	_ =	sdelay $0x3  }
0x39: {  	s0 =	rddreg [dreg:$0xc]  }
0x3a: {  	[tilespmem:s0], [sflag:$0x1] =	stream.indirect_vreg.gather [hbm4b:s3+s2], $0x80, v4, vm0, $0xb8;
	[tilespmem:$0x10080] =	vst v63  }
0x3b: {  	s10 =	rddreg [dreg:$0xd];
	v3 =	vperm.xlane v3, v2  }
0x3c: {  	[tilespmem:s10], [sflag:$0x1] =	stream.indirect_vreg.gather [hbm4b:s4+s2], $0x80, v4, vm0, $0xb8;
	[tilespmem:$0x10080] =	vst v63  }
0x3d: {  	v3 =	vadd.s32 v1, v3;
	s0 =	rddreg [dreg:$0xe]  }
0x3e: {  	[tilespmem:s0], [sflag:$0x1] =	stream.indirect_vreg.gather [hbm4b:s5+s2], $0x80, v4, vm0, $0xb8;
	[tilespmem:$0x10080] =	vst v63  }
0x3f: {  	s10 =	simm.s32 $0x5880  }
0x40: {  	[tilespmem:s10], [sflag:$0x1] =	stream.indirect_vreg.gather [hbm4b:s6+s2], $0x80, v4, vm0, $0xb8;
	[tilespmem:$0x10080] =	vst v63  }
0x41: {  	_ = 	snop  }
0x42: {  	[tilespmem:s11], [sflag:$0x1] =	stream.indirect_vreg.gather [hbm4b:s3+s2], $0x80, v3, vm0, $0xb8;
	[tilespmem:$0x10080] =	vst v63  }
0x43: {  	_ = 	snop  }
0x44: {  	[tilespmem:s12], [sflag:$0x1] =	stream.indirect_vreg.gather [hbm4b:s4+s2], $0x80, v3, vm0, $0xb8;
	[tilespmem:$0x10080] =	vst v63  }
0x45: {  	_ = 	snop  }
0x46: {  	[tilespmem:s13], [sflag:$0x1] =	stream.indirect_vreg.gather [hbm4b:s5+s2], $0x80, v3, vm0, $0xb8;
	[tilespmem:$0x10080] =	vst v63  }
0x47: {  	_ = 	snop  }
0x48: {  	[tilespmem:s14], [sflag:$0x1] =	stream.indirect_vreg.gather [hbm4b:s6+s2], $0x80, v3, vm0, $0xb8;
	[tilespmem:$0x10080] =	vst v63  }
0x49: {  	v3 =	vld [tilespmem:$0x20];
	_ =	sdelay $0x4  }
0x4a: {  	v62 =	vshll.u32 v3, $0x3  }
0x4b: {  	v3 =	vand.u32 $0x7, v3;
	v4 =	vand.u32 $0xFFFFFFC0, v62  }
0x4c: {  	v3 =	vor.u32 v3, v4  }
0x4d: {  	v4 =	vperm.xlane v3, v0;
	_ =	sdelay $0x1  }
0x4e: {  	v4 =	vadd.s32 v1, v4;
	_ =	sdelay $0x4  }
0x4f: {  	[tilespmem:s15], [sflag:$0x1] =	stream.indirect_vreg.gather [hbm4b:s3+s2], $0x80, v4, vm0, $0xb8;
	[tilespmem:$0x10080] =	vst v63  }
0x50: {  	v3 =	vperm.xlane v3, v2  }
0x51: {  	[tilespmem:s16], [sflag:$0x1] =	stream.indirect_vreg.gather [hbm4b:s4+s2], $0x80, v4, vm0, $0xb8;
	[tilespmem:$0x10080] =	vst v63  }
0x52: {  	v3 =	vadd.s32 v1, v3  }
0x53: {  	[tilespmem:s17], [sflag:$0x1] =	stream.indirect_vreg.gather [hbm4b:s5+s2], $0x80, v4, vm0, $0xb8;
	[tilespmem:$0x10080] =	vst v63  }
0x54: {  	_ = 	snop  }
0x55: {  	[tilespmem:s18], [sflag:$0x1] =	stream.indirect_vreg.gather [hbm4b:s6+s2], $0x80, v4, vm0, $0xb8;
	[tilespmem:$0x10080] =	vst v63  }
0x56: {  	_ = 	snop  }
0x57: {  	[tilespmem:s19], [sflag:$0x1] =	stream.indirect_vreg.gather [hbm4b:s3+s2], $0x80, v3, vm0, $0xb8;
	[tilespmem:$0x10080] =	vst v63  }
0x58: {  	_ = 	snop  }
0x59: {  	[tilespmem:s20], [sflag:$0x1] =	stream.indirect_vreg.gather [hbm4b:s4+s2], $0x80, v3, vm0, $0xb8;
	[tilespmem:$0x10080] =	vst v63  }
0x5a: {  	_ = 	snop  }
0x5b: {  	[tilespmem:s21], [sflag:$0x1] =	stream.indirect_vreg.gather [hbm4b:s5+s2], $0x80, v3, vm0, $0xb8;
	[tilespmem:$0x10080] =	vst v63  }
0x5c: {  	_ = 	snop  }
0x5d: {  	[tilespmem:s22], [sflag:$0x1] =	stream.indirect_vreg.gather [hbm4b:s6+s2], $0x80, v3, vm0, $0xb8;
	[tilespmem:$0x10080] =	vst v63  }
0x5e: {  	v3 =	vld [tilespmem:$0x30];
	_ =	sdelay $0x4  }
0x5f: {  	v63 =	vshll.u32 v3, $0x3  }
0x60: {  	v3 =	vand.u32 $0x7, v3;
	v4 =	vand.u32 $0xFFFFFFC0, v63  }
0x61: {  	v3 =	vor.u32 v3, v4  }
0x62: {  	v4 =	vperm.xlane v3, v0;
	_ =	sdelay $0x1  }
0x63: {  	v4 =	vadd.s32 v1, v4;
	_ =	sdelay $0x4  }
0x64: {  	[tilespmem:s23], [sflag:$0x1] =	stream.indirect_vreg.gather [hbm4b:s3+s2], $0x80, v4, vm0, $0xb8;
	[tilespmem:$0x10080] =	vst v63  }
0x65: {  	v3 =	vperm.xlane v3, v2  }
0x66: {  	[tilespmem:s24], [sflag:$0x1] =	stream.indirect_vreg.gather [hbm4b:s4+s2], $0x80, v4, vm0, $0xb8;
	[tilespmem:$0x10080] =	vst v63  }
0x67: {  	v3 =	vadd.s32 v1, v3  }
0x68: {  	[tilespmem:s25], [sflag:$0x1] =	stream.indirect_vreg.gather [hbm4b:s5+s2], $0x80, v4, vm0, $0xb8;
	[tilespmem:$0x10080] =	vst v63  }
0x69: {  	_ = 	snop  }
0x6a: {  	[tilespmem:s26], [sflag:$0x1] =	stream.indirect_vreg.gather [hbm4b:s6+s2], $0x80, v4, vm0, $0xb8;
	[tilespmem:$0x10080] =	vst v63  }
0x6b: {  	_ = 	snop  }
0x6c: {  	[tilespmem:s28], [sflag:$0x1] =	stream.indirect_vreg.gather [hbm4b:s3+s2], $0x80, v3, vm0, $0xb8;
	[tilespmem:$0x10080] =	vst v63  }
0x6d: {  	_ = 	snop  }
0x6e: {  	[tilespmem:s29], [sflag:$0x1] =	stream.indirect_vreg.gather [hbm4b:s4+s2], $0x80, v3, vm0, $0xb8;
	[tilespmem:$0x10080] =	vst v63  }
0x6f: {  	_ = 	snop  }
0x70: {  	[tilespmem:s30], [sflag:$0x1] =	stream.indirect_vreg.gather [hbm4b:s5+s2], $0x80, v3, vm0, $0xb8;
	[tilespmem:$0x10080] =	vst v63  }
0x71: {  	_ = 	snop  }
0x72: {  	[tilespmem:s31], [sflag:$0x1] =	stream.indirect_vreg.gather [hbm4b:s6+s2], $0x80, v3, vm0, $0xb8;
	[tilespmem:$0x10080] =	vst v63  }
0x73: {  	_ =	swait.ge [sflag:s1], $0x10000  }
0x74: {  	p0 =	sne.s32 s7, $0x1;
	[sflag:s1] =	ssyncset.done $0x0  }
.Ltmp0:
0x75: {  	s10 =	rddreg [dreg:$0x4];
	[sflag:s1] =	ssyncadd.s32 $0xFFFF0000;
	(pc) =	sbr.rel @p0 .LBB2_1-.Ltmp0, $4  }
0x76: {  	[hbm4b:s10+s2] =	stream.linear.scatter [tilespmem:s9], [sflag:$0x2], $0x10000, $0x38;
	[tilespmem:$0x10080] =	vst v63  }
0x77: {  	_ =	swait.ge [sflag:s8], $0x10000  }
0x78: {  	[sflag:s8] =	ssyncset.done $0x0  }
0x79: {  	s7 =	sadd.s32 $0xFFFFFFFF, s7;
	[sflag:s8] =	ssyncadd.s32 $0xFFFF0000  }
0x7a: {  	_ =	sfence.sel $0x180000  }
0x7b: {  	[bflag:$0x0] =	sbarrier.arrive $0xFFFF  }
0x7c: {  	_ =	strace $0x9000004A  }
0x7d: {  	s0 =	stileid.u32;
	[bflag:$0x2] =	sbarrier.arrive $0xFFFF  }
0x7e: {  	p0 =	sne.s32 s0, $0x0;
	s0 =	rddreg [dreg:$0x2]  }
0x7f: {  	s0 =	sadd.s32 @!p0 $0x100000, s0  }
0x80: {  	[sflag:s0] =	ssyncadd.tile.s32 @!p0 $0x1;
	_ =	shalt  }
.Lfunc_end2:
_tile_overlayer_lowered:
.L_overlay_start_2:
0x81: {  	(tag) =	ssettag $0x2  }
0x82: {  	s0 =	rddreg [dreg:$0x0];
	s2 =	stileid.u32  }
0x83: {  	s1 =	rddreg [dreg:$0x1];
	p0 =	sne.s32 s2, $0x0  }
0x84: {  	s3 =	rddreg [dreg:$0x2];
	[bflag:$0x3] =	sbarrier.arrive $0xFFFF;
	s2 =	simm.s32 @!p0 $0x1C02  }
0x85: {  	[timem:s3], [sflag:s2] =	dma.local @!p0 [hbm:s0], s1  }
0x86: {  	s0 =	simm.s32 @!p0 $0x2  }
0x87: {  	_ =	swait.ge @!p0 [sflag:s0], s1  }
0x88: {  	s1 =	ssub.s32 @!p0 $0x0, s1;
	[sflag:s0] =	ssyncset.done @!p0 $0x0  }
0x89: {  	[sflag:s0] =	ssyncadd.s32 @!p0 s1  }
0x8a: {  	[bflag:$0x3] =	sbarrier.arrive $0xFFFF  }
0x8b: {  	_ =	shalt  }

</sc_bundles>
